<compile_context>
chip_gen: v7x
topology: tpu7x:2x2x1
jax: 0.10.2.dev20260603
libtpu: 0.0.44.dev20260713+nightly
codegen_flags: <defaults>
</compile_context>

<pallas_src>
import functools

import jax
import jax.numpy as jnp
from jax import lax
from jax.experimental import pallas as pl
from jax.experimental.pallas import tpu as pltpu
from jax.experimental.pallas import tpu_sc as plsc

_NBUF = 8
_LOOKAHEAD = 4


@functools.partial(jax.jit, static_argnames=("num_rows", "d", "ch", "nch"))
def _sc_gather(idx, table, *, num_rows, d, ch, nch):
    nw = 32
    bpw = num_rows // nw

    mesh = plsc.VectorSubcoreMesh(core_axis_name="c", subcore_axis_name="s")

    @functools.partial(
        pl.kernel,
        mesh=mesh,
        out_type=jax.ShapeDtypeStruct((num_rows, 2 * d), jnp.float32),
        scratch_types=[
            pltpu.VMEM((bpw,), jnp.int32),
            [pltpu.VMEM((ch, d), jnp.float32) for _ in range(_NBUF)],
            [pltpu.SemaphoreType.DMA for _ in range(_NBUF)],
            [pltpu.SemaphoreType.DMA for _ in range(_NBUF)],
        ],
        compiler_params=pltpu.CompilerParams(use_tc_tiling_on_sc=False),
    )
    def body(tokens_hbm, table_hbm, out_hbm, idx_v, bufs, gsems, wsems):
        wid = lax.axis_index("s") * 2 + lax.axis_index("c")
        row0 = wid * bpw

        def fire_gather(g, b):
            pltpu.async_copy(
                table_hbm.at[idx_v.at[pl.ds(g * ch, ch)]], bufs[b], gsems[b]
            )

        def drain_gather(b):
            pltpu.make_async_copy(
                out_hbm.at[pl.ds(0, ch)], bufs[b], gsems[b]
            ).wait()

        def fire_write(g, b):
            pltpu.async_copy(
                bufs[b],
                out_hbm.at[pl.ds(row0 + g * ch, ch), pl.ds(0, d)],
                wsems[b],
            )

        def drain_write(b):
            pltpu.make_async_copy(
                bufs[b], out_hbm.at[pl.ds(0, ch), pl.ds(0, d)], wsems[b]
            ).wait()

        pltpu.sync_copy(tokens_hbm.at[pl.ds(row0, bpw)], idx_v)

        for g in range(_NBUF):
            fire_gather(g, g)
            if g >= _LOOKAHEAD:
                drain_gather(g - _LOOKAHEAD)
                fire_write(g - _LOOKAHEAD, g - _LOOKAHEAD)

        def step(g0, carry):
            for i in range(_NBUF):
                g = g0 + i
                drain_write(i)
                fire_gather(g, i)
                bw = (i + _NBUF - _LOOKAHEAD) % _NBUF
                drain_gather(bw)
                fire_write(g - _LOOKAHEAD, bw)
            return carry

        lax.fori_loop(
            0, (nch - _NBUF) // _NBUF,
            lambda p, c: step(_NBUF + p * _NBUF, c), 0,
        )

        for g in range(nch, nch + _LOOKAHEAD):
            b = (g - _LOOKAHEAD) % _NBUF
            drain_gather(b)
            fire_write(g - _LOOKAHEAD, b)
        for b in range(_NBUF):
            drain_write(b)

    return body(idx, table)


_TC_BLK = 16384
_SPLIT = 31 * _TC_BLK


def _tc_format(tT):
    d, n = tT.shape
    nblk = (n + _TC_BLK - 1) // _TC_BLK - 1

    def body(lo_ref, hi_ref, o_ref):
        xcat = jnp.concatenate([lo_ref[...], hi_ref[...]], axis=0)
        o_ref[...] = xcat.T

    return pl.pallas_call(
        body,
        grid=(_SPLIT // _TC_BLK,),
        in_specs=[
            pl.BlockSpec((d, _TC_BLK), lambda i: (0, i)),
            pl.BlockSpec(
                (d, _TC_BLK),
                lambda i: (0, jnp.minimum(i + _SPLIT // _TC_BLK, nblk)),
            ),
        ],
        out_specs=pl.BlockSpec((_TC_BLK, 2 * d), lambda i: (i, 0)),
        out_shape=jax.ShapeDtypeStruct((_SPLIT, 2 * d), jnp.float32),
    )(tT, tT)


def kernel(tokens, table):
    b, t = tokens.shape
    num_rows = b * t
    d = table.shape[1]
    idx = tokens.astype(jnp.int32).reshape(num_rows)
    idx2 = jnp.where(idx < _SPLIT, 2 * idx, 2 * (idx - _SPLIT) + 1)
    packed = _tc_format(table.T)
    tlin = packed.reshape(2 * _SPLIT, d)
    ch = 200
    nch = num_rows // 32 // ch
    out = _sc_gather(idx2, tlin, num_rows=num_rows, d=d, ch=ch, nch=nch)
    return out.reshape(b, t, 2 * d)[:, :, :d]

# --- scband reference (transcript-rebuilt; emitter-appended) ---
"""Pipeline reference for scband-embedding-wrapper-35596688949406 (READ-ONLY COPY).

The authoritative reference and input builder live on the scoring server;
editing this copy changes nothing except your own understanding.
"""

import jax, jax.numpy as jnp
import numpy as np

NUM_EMBEDDINGS = 1000000
EMBED_DIM = 64

def setup_inputs(seed: int = 0) -> dict:
    key = jax.random.key(seed)
    k1, k2 = jax.random.split(key)
    tokens = jax.random.randint(k1, (4096, 200), 0, NUM_EMBEDDINGS, dtype=jnp.int64 if jax.config.read('jax_enable_x64') else jnp.int32)
    table = jax.random.normal(k2, (NUM_EMBEDDINGS, EMBED_DIM), dtype=jnp.float32) * 0.02
    return {"tokens": tokens, "table": table}

def reference(tokens, table):
    # EmbeddingWrapper.forward: self.embedding(tokens)
    return jnp.take(table, tokens, axis=0)

if __name__ == "__main__":
    import jax
    _d = setup_inputs()
    print(jax.jit(kernel)(*tuple(_d.values())))

</pallas_src>

<mosaic_0001>
#map = affine_map<(d0, d1) -> (0)>
#map1 = affine_map<(d0, d1) -> (0, 0)>
module attributes {stable_mosaic.version = 14 : i64} {
  func.func @body(%arg0: i32, %arg1: i32, %arg2: memref<819200xi32, #tpu.memory_space<hbm>>, %arg3: memref<1015808x64xf32, #tpu.memory_space<hbm>>, %arg4: memref<819200x128xf32, #tpu.memory_space<hbm>>, %arg5: memref<25600xi32, #tpu.memory_space<vmem>>, %arg6: memref<200x64xf32, #tpu.memory_space<vmem>>, %arg7: memref<200x64xf32, #tpu.memory_space<vmem>>, %arg8: memref<200x64xf32, #tpu.memory_space<vmem>>, %arg9: memref<200x64xf32, #tpu.memory_space<vmem>>, %arg10: memref<200x64xf32, #tpu.memory_space<vmem>>, %arg11: memref<200x64xf32, #tpu.memory_space<vmem>>, %arg12: memref<200x64xf32, #tpu.memory_space<vmem>>, %arg13: memref<200x64xf32, #tpu.memory_space<vmem>>, %arg14: memref<!tpu.dma_semaphore, #tpu.memory_space<semaphore_mem>>, %arg15: memref<!tpu.dma_semaphore, #tpu.memory_space<semaphore_mem>>, %arg16: memref<!tpu.dma_semaphore, #tpu.memory_space<semaphore_mem>>, %arg17: memref<!tpu.dma_semaphore, #tpu.memory_space<semaphore_mem>>, %arg18: memref<!tpu.dma_semaphore, #tpu.memory_space<semaphore_mem>>, %arg19: memref<!tpu.dma_semaphore, #tpu.memory_space<semaphore_mem>>, %arg20: memref<!tpu.dma_semaphore, #tpu.memory_space<semaphore_mem>>, %arg21: memref<!tpu.dma_semaphore, #tpu.memory_space<semaphore_mem>>, %arg22: memref<!tpu.dma_semaphore, #tpu.memory_space<semaphore_mem>>, %arg23: memref<!tpu.dma_semaphore, #tpu.memory_space<semaphore_mem>>, %arg24: memref<!tpu.dma_semaphore, #tpu.memory_space<semaphore_mem>>, %arg25: memref<!tpu.dma_semaphore, #tpu.memory_space<semaphore_mem>>, %arg26: memref<!tpu.dma_semaphore, #tpu.memory_space<semaphore_mem>>, %arg27: memref<!tpu.dma_semaphore, #tpu.memory_space<semaphore_mem>>, %arg28: memref<!tpu.dma_semaphore, #tpu.memory_space<semaphore_mem>>, %arg29: memref<!tpu.dma_semaphore, #tpu.memory_space<semaphore_mem>>) attributes {dimension_semantics = [#tpu.dimension_semantics<core_parallel>, #tpu.dimension_semantics<subcore_parallel>], iteration_bounds = array<i64: 2, 16>, scalar_prefetch = 0 : i64, scratch_operands = 25 : i64, tpu.core_type = #tpu.core_type<sc_vector_subcore>, window_params = [{transform_indices = #map}, {transform_indices = #map1}, {transform_indices = #map1}]} {
    %mul3A = arith.constant 2 : i32
    %mul3A_0 = arith.muli %arg1, %mul3A : i32
    %add3A = arith.addi %mul3A_0, %arg0 : i32
    %mul3A_1 = arith.constant 25600 : i32
    %mul3A_2 = arith.muli %add3A, %mul3A_1 : i32
    "tpu.region"() ({
      %run_scoped3A = tpu.sem_alloc : memref<!tpu.dma_semaphore, #tpu.memory_space<semaphore_mem>>
      %dma_start3A_190 = tpu.memref_slice %arg2[%mul3A_2] : memref<819200xi32, #tpu.memory_space<hbm>> -> memref<25600xi32, #tpu.memory_space<hbm>>
      %dma_start3A_191 = tpu.memref_slice %arg2[%mul3A_2] : memref<819200xi32, #tpu.memory_space<hbm>> -> memref<25600xi32, #tpu.memory_space<hbm>>
      tpu.enqueue_dma source(%dma_start3A_191 : memref<25600xi32, #tpu.memory_space<hbm>>) target(%arg5 : memref<25600xi32, #tpu.memory_space<vmem>>) target_semaphore(%run_scoped3A : memref<!tpu.dma_semaphore, #tpu.memory_space<semaphore_mem>>)
      %dma_wait3A_192 = tpu.memref_slice %arg2[%mul3A_2] : memref<819200xi32, #tpu.memory_space<hbm>> -> memref<25600xi32, #tpu.memory_space<hbm>>
      %dma_wait3A_193 = tpu.memref_slice %arg2[%mul3A_2] : memref<819200xi32, #tpu.memory_space<hbm>> -> memref<25600xi32, #tpu.memory_space<hbm>>
      tpu.wait_dma2 semaphore(%run_scoped3A : memref<!tpu.dma_semaphore, #tpu.memory_space<semaphore_mem>>) src(%dma_wait3A_193 : memref<25600xi32, #tpu.memory_space<hbm>>) dst(%arg5 : memref<25600xi32, #tpu.memory_space<vmem>>)
      tpu.yield
    }) : () -> ()
    %dma_start3A = arith.constant 0 : i32
    %dma_start3A_3 = tpu.memref_slice %arg5[%dma_start3A] : memref<25600xi32, #tpu.memory_space<vmem>> -> memref<200xi32, #tpu.memory_space<vmem>>
    %dma_start3A_4 = arith.constant 0 : i32
    %dma_start3A_5 = arith.constant 0 : i32
    %dma_start3A_6 = tpu.memref_slice %arg3[%dma_start3A_4, %dma_start3A_5] : memref<1015808x64xf32, #tpu.memory_space<hbm>> -> memref<1015808x64xf32, #tpu.memory_space<hbm>>
    tpu.enqueue_indirect_dma source(%dma_start3A_6 : memref<1015808x64xf32, #tpu.memory_space<hbm>>) target(%arg6 : memref<200x64xf32, #tpu.memory_space<vmem>>) offsets(%dma_start3A_3 : memref<200xi32, #tpu.memory_space<vmem>>) semaphore(%arg14 : memref<!tpu.dma_semaphore, #tpu.memory_space<semaphore_mem>>)
    %dma_start3A_7 = arith.constant 200 : i32
    %dma_start3A_8 = tpu.memref_slice %arg5[%dma_start3A_7] : memref<25600xi32, #tpu.memory_space<vmem>> -> memref<200xi32, #tpu.memory_space<vmem>>
    %dma_start3A_9 = arith.constant 0 : i32
    %dma_start3A_10 = arith.constant 0 : i32
    %dma_start3A_11 = tpu.memref_slice %arg3[%dma_start3A_9, %dma_start3A_10] : memref<1015808x64xf32, #tpu.memory_space<hbm>> -> memref<1015808x64xf32, #tpu.memory_space<hbm>>
    tpu.enqueue_indirect_dma source(%dma_start3A_11 : memref<1015808x64xf32, #tpu.memory_space<hbm>>) target(%arg7 : memref<200x64xf32, #tpu.memory_space<vmem>>) offsets(%dma_start3A_8 : memref<200xi32, #tpu.memory_space<vmem>>) semaphore(%arg15 : memref<!tpu.dma_semaphore, #tpu.memory_space<semaphore_mem>>)
    %dma_start3A_12 = arith.constant 400 : i32
    %dma_start3A_13 = tpu.memref_slice %arg5[%dma_start3A_12] : memref<25600xi32, #tpu.memory_space<vmem>> -> memref<200xi32, #tpu.memory_space<vmem>>
    %dma_start3A_14 = arith.constant 0 : i32
    %dma_start3A_15 = arith.constant 0 : i32
    %dma_start3A_16 = tpu.memref_slice %arg3[%dma_start3A_14, %dma_start3A_15] : memref<1015808x64xf32, #tpu.memory_space<hbm>> -> memref<1015808x64xf32, #tpu.memory_space<hbm>>
    tpu.enqueue_indirect_dma source(%dma_start3A_16 : memref<1015808x64xf32, #tpu.memory_space<hbm>>) target(%arg8 : memref<200x64xf32, #tpu.memory_space<vmem>>) offsets(%dma_start3A_13 : memref<200xi32, #tpu.memory_space<vmem>>) semaphore(%arg16 : memref<!tpu.dma_semaphore, #tpu.memory_space<semaphore_mem>>)
    %dma_start3A_17 = arith.constant 600 : i32
    %dma_start3A_18 = tpu.memref_slice %arg5[%dma_start3A_17] : memref<25600xi32, #tpu.memory_space<vmem>> -> memref<200xi32, #tpu.memory_space<vmem>>
    %dma_start3A_19 = arith.constant 0 : i32
    %dma_start3A_20 = arith.constant 0 : i32
    %dma_start3A_21 = tpu.memref_slice %arg3[%dma_start3A_19, %dma_start3A_20] : memref<1015808x64xf32, #tpu.memory_space<hbm>> -> memref<1015808x64xf32, #tpu.memory_space<hbm>>
    tpu.enqueue_indirect_dma source(%dma_start3A_21 : memref<1015808x64xf32, #tpu.memory_space<hbm>>) target(%arg9 : memref<200x64xf32, #tpu.memory_space<vmem>>) offsets(%dma_start3A_18 : memref<200xi32, #tpu.memory_space<vmem>>) semaphore(%arg17 : memref<!tpu.dma_semaphore, #tpu.memory_space<semaphore_mem>>)
    %dma_start3A_22 = arith.constant 800 : i32
    %dma_start3A_23 = tpu.memref_slice %arg5[%dma_start3A_22] : memref<25600xi32, #tpu.memory_space<vmem>> -> memref<200xi32, #tpu.memory_space<vmem>>
    %dma_start3A_24 = arith.constant 0 : i32
    %dma_start3A_25 = arith.constant 0 : i32
    %dma_start3A_26 = tpu.memref_slice %arg3[%dma_start3A_24, %dma_start3A_25] : memref<1015808x64xf32, #tpu.memory_space<hbm>> -> memref<1015808x64xf32, #tpu.memory_space<hbm>>
    tpu.enqueue_indirect_dma source(%dma_start3A_26 : memref<1015808x64xf32, #tpu.memory_space<hbm>>) target(%arg10 : memref<200x64xf32, #tpu.memory_space<vmem>>) offsets(%dma_start3A_23 : memref<200xi32, #tpu.memory_space<vmem>>) semaphore(%arg18 : memref<!tpu.dma_semaphore, #tpu.memory_space<semaphore_mem>>)
    %dma_wait3A = arith.constant 0 : i32
    %dma_wait3A_27 = arith.constant 0 : i32
    %dma_wait3A_28 = tpu.memref_slice %arg4[%dma_wait3A, %dma_wait3A_27] : memref<819200x128xf32, #tpu.memory_space<hbm>> -> memref<200x128xf32, #tpu.memory_space<hbm>>
    %dma_wait3A_29 = arith.constant 0 : i32
    %dma_wait3A_30 = arith.constant 0 : i32
    %dma_wait3A_31 = tpu.memref_slice %arg4[%dma_wait3A_29, %dma_wait3A_30] : memref<819200x128xf32, #tpu.memory_space<hbm>> -> memref<200x128xf32, #tpu.memory_space<hbm>>
    tpu.wait_dma2 semaphore(%arg14 : memref<!tpu.dma_semaphore, #tpu.memory_space<semaphore_mem>>) src(%dma_wait3A_31 : memref<200x128xf32, #tpu.memory_space<hbm>>) dst(%arg6 : memref<200x64xf32, #tpu.memory_space<vmem>>)
    %add3A_32 = arith.constant 0 : i32
    %add3A_33 = arith.addi %mul3A_2, %add3A_32 : i32
    %dma_start3A_34 = arith.constant 0 : i32
    %dma_start3A_35 = tpu.memref_slice %arg4[%add3A_33, %dma_start3A_34] : memref<819200x128xf32, #tpu.memory_space<hbm>> -> memref<200x64xf32, #tpu.memory_space<hbm>>
    %dma_start3A_36 = arith.constant 0 : i32
    %dma_start3A_37 = tpu.memref_slice %arg4[%add3A_33, %dma_start3A_36] : memref<819200x128xf32, #tpu.memory_space<hbm>> -> memref<200x64xf32, #tpu.memory_space<hbm>>
    tpu.enqueue_dma source(%arg6 : memref<200x64xf32, #tpu.memory_space<vmem>>) target(%dma_start3A_37 : memref<200x64xf32, #tpu.memory_space<hbm>>) target_semaphore(%arg22 : memref<!tpu.dma_semaphore, #tpu.memory_space<semaphore_mem>>)
    %dma_start3A_38 = arith.constant 1000 : i32
    %dma_start3A_39 = tpu.memref_slice %arg5[%dma_start3A_38] : memref<25600xi32, #tpu.memory_space<vmem>> -> memref<200xi32, #tpu.memory_space<vmem>>
    %dma_start3A_40 = arith.constant 0 : i32
    %dma_start3A_41 = arith.constant 0 : i32
    %dma_start3A_42 = tpu.memref_slice %arg3[%dma_start3A_40, %dma_start3A_41] : memref<1015808x64xf32, #tpu.memory_space<hbm>> -> memref<1015808x64xf32, #tpu.memory_space<hbm>>
    tpu.enqueue_indirect_dma source(%dma_start3A_42 : memref<1015808x64xf32, #tpu.memory_space<hbm>>) target(%arg11 : memref<200x64xf32, #tpu.memory_space<vmem>>) offsets(%dma_start3A_39 : memref<200xi32, #tpu.memory_space<vmem>>) semaphore(%arg19 : memref<!tpu.dma_semaphore, #tpu.memory_space<semaphore_mem>>)
    %dma_wait3A_43 = arith.constant 0 : i32
    %dma_wait3A_44 = arith.constant 0 : i32
    %dma_wait3A_45 = tpu.memref_slice %arg4[%dma_wait3A_43, %dma_wait3A_44] : memref<819200x128xf32, #tpu.memory_space<hbm>> -> memref<200x128xf32, #tpu.memory_space<hbm>>
    %dma_wait3A_46 = arith.constant 0 : i32
    %dma_wait3A_47 = arith.constant 0 : i32
    %dma_wait3A_48 = tpu.memref_slice %arg4[%dma_wait3A_46, %dma_wait3A_47] : memref<819200x128xf32, #tpu.memory_space<hbm>> -> memref<200x128xf32, #tpu.memory_space<hbm>>
    tpu.wait_dma2 semaphore(%arg15 : memref<!tpu.dma_semaphore, #tpu.memory_space<semaphore_mem>>) src(%dma_wait3A_48 : memref<200x128xf32, #tpu.memory_space<hbm>>) dst(%arg7 : memref<200x64xf32, #tpu.memory_space<vmem>>)
    %add3A_49 = arith.constant 200 : i32
    %add3A_50 = arith.addi %mul3A_2, %add3A_49 : i32
    %dma_start3A_51 = arith.constant 0 : i32
    %dma_start3A_52 = tpu.memref_slice %arg4[%add3A_50, %dma_start3A_51] : memref<819200x128xf32, #tpu.memory_space<hbm>> -> memref<200x64xf32, #tpu.memory_space<hbm>>
    %dma_start3A_53 = arith.constant 0 : i32
    %dma_start3A_54 = tpu.memref_slice %arg4[%add3A_50, %dma_start3A_53] : memref<819200x128xf32, #tpu.memory_space<hbm>> -> memref<200x64xf32, #tpu.memory_space<hbm>>
    tpu.enqueue_dma source(%arg7 : memref<200x64xf32, #tpu.memory_space<vmem>>) target(%dma_start3A_54 : memref<200x64xf32, #tpu.memory_space<hbm>>) target_semaphore(%arg23 : memref<!tpu.dma_semaphore, #tpu.memory_space<semaphore_mem>>)
    %dma_start3A_55 = arith.constant 1200 : i32
    %dma_start3A_56 = tpu.memref_slice %arg5[%dma_start3A_55] : memref<25600xi32, #tpu.memory_space<vmem>> -> memref<200xi32, #tpu.memory_space<vmem>>
    %dma_start3A_57 = arith.constant 0 : i32
    %dma_start3A_58 = arith.constant 0 : i32
    %dma_start3A_59 = tpu.memref_slice %arg3[%dma_start3A_57, %dma_start3A_58] : memref<1015808x64xf32, #tpu.memory_space<hbm>> -> memref<1015808x64xf32, #tpu.memory_space<hbm>>
    tpu.enqueue_indirect_dma source(%dma_start3A_59 : memref<1015808x64xf32, #tpu.memory_space<hbm>>) target(%arg12 : memref<200x64xf32, #tpu.memory_space<vmem>>) offsets(%dma_start3A_56 : memref<200xi32, #tpu.memory_space<vmem>>) semaphore(%arg20 : memref<!tpu.dma_semaphore, #tpu.memory_space<semaphore_mem>>)
    %dma_wait3A_60 = arith.constant 0 : i32
    %dma_wait3A_61 = arith.constant 0 : i32
    %dma_wait3A_62 = tpu.memref_slice %arg4[%dma_wait3A_60, %dma_wait3A_61] : memref<819200x128xf32, #tpu.memory_space<hbm>> -> memref<200x128xf32, #tpu.memory_space<hbm>>
    %dma_wait3A_63 = arith.constant 0 : i32
    %dma_wait3A_64 = arith.constant 0 : i32
    %dma_wait3A_65 = tpu.memref_slice %arg4[%dma_wait3A_63, %dma_wait3A_64] : memref<819200x128xf32, #tpu.memory_space<hbm>> -> memref<200x128xf32, #tpu.memory_space<hbm>>
    tpu.wait_dma2 semaphore(%arg16 : memref<!tpu.dma_semaphore, #tpu.memory_space<semaphore_mem>>) src(%dma_wait3A_65 : memref<200x128xf32, #tpu.memory_space<hbm>>) dst(%arg8 : memref<200x64xf32, #tpu.memory_space<vmem>>)
    %add3A_66 = arith.constant 400 : i32
    %add3A_67 = arith.addi %mul3A_2, %add3A_66 : i32
    %dma_start3A_68 = arith.constant 0 : i32
    %dma_start3A_69 = tpu.memref_slice %arg4[%add3A_67, %dma_start3A_68] : memref<819200x128xf32, #tpu.memory_space<hbm>> -> memref<200x64xf32, #tpu.memory_space<hbm>>
    %dma_start3A_70 = arith.constant 0 : i32
    %dma_start3A_71 = tpu.memref_slice %arg4[%add3A_67, %dma_start3A_70] : memref<819200x128xf32, #tpu.memory_space<hbm>> -> memref<200x64xf32, #tpu.memory_space<hbm>>
    tpu.enqueue_dma source(%arg8 : memref<200x64xf32, #tpu.memory_space<vmem>>) target(%dma_start3A_71 : memref<200x64xf32, #tpu.memory_space<hbm>>) target_semaphore(%arg24 : memref<!tpu.dma_semaphore, #tpu.memory_space<semaphore_mem>>)
    %dma_start3A_72 = arith.constant 1400 : i32
    %dma_start3A_73 = tpu.memref_slice %arg5[%dma_start3A_72] : memref<25600xi32, #tpu.memory_space<vmem>> -> memref<200xi32, #tpu.memory_space<vmem>>
    %dma_start3A_74 = arith.constant 0 : i32
    %dma_start3A_75 = arith.constant 0 : i32
    %dma_start3A_76 = tpu.memref_slice %arg3[%dma_start3A_74, %dma_start3A_75] : memref<1015808x64xf32, #tpu.memory_space<hbm>> -> memref<1015808x64xf32, #tpu.memory_space<hbm>>
    tpu.enqueue_indirect_dma source(%dma_start3A_76 : memref<1015808x64xf32, #tpu.memory_space<hbm>>) target(%arg13 : memref<200x64xf32, #tpu.memory_space<vmem>>) offsets(%dma_start3A_73 : memref<200xi32, #tpu.memory_space<vmem>>) semaphore(%arg21 : memref<!tpu.dma_semaphore, #tpu.memory_space<semaphore_mem>>)
    %dma_wait3A_77 = arith.constant 0 : i32
    %dma_wait3A_78 = arith.constant 0 : i32
    %dma_wait3A_79 = tpu.memref_slice %arg4[%dma_wait3A_77, %dma_wait3A_78] : memref<819200x128xf32, #tpu.memory_space<hbm>> -> memref<200x128xf32, #tpu.memory_space<hbm>>
    %dma_wait3A_80 = arith.constant 0 : i32
    %dma_wait3A_81 = arith.constant 0 : i32
    %dma_wait3A_82 = tpu.memref_slice %arg4[%dma_wait3A_80, %dma_wait3A_81] : memref<819200x128xf32, #tpu.memory_space<hbm>> -> memref<200x128xf32, #tpu.memory_space<hbm>>
    tpu.wait_dma2 semaphore(%arg17 : memref<!tpu.dma_semaphore, #tpu.memory_space<semaphore_mem>>) src(%dma_wait3A_82 : memref<200x128xf32, #tpu.memory_space<hbm>>) dst(%arg9 : memref<200x64xf32, #tpu.memory_space<vmem>>)
    %add3A_83 = arith.constant 600 : i32
    %add3A_84 = arith.addi %mul3A_2, %add3A_83 : i32
    %dma_start3A_85 = arith.constant 0 : i32
    %dma_start3A_86 = tpu.memref_slice %arg4[%add3A_84, %dma_start3A_85] : memref<819200x128xf32, #tpu.memory_space<hbm>> -> memref<200x64xf32, #tpu.memory_space<hbm>>
    %dma_start3A_87 = arith.constant 0 : i32
    %dma_start3A_88 = tpu.memref_slice %arg4[%add3A_84, %dma_start3A_87] : memref<819200x128xf32, #tpu.memory_space<hbm>> -> memref<200x64xf32, #tpu.memory_space<hbm>>
    tpu.enqueue_dma source(%arg9 : memref<200x64xf32, #tpu.memory_space<vmem>>) target(%dma_start3A_88 : memref<200x64xf32, #tpu.memory_space<hbm>>) target_semaphore(%arg25 : memref<!tpu.dma_semaphore, #tpu.memory_space<semaphore_mem>>)
    %scan3A = arith.constant 0 : i32
    %scan3A_89 = arith.constant 0 : i32
    %scan3A_90 = arith.constant 15 : i32
    %scan3A_91 = arith.addi %scan3A_89, %scan3A_90 : i32
    %scan3A_92 = arith.constant 1 : i32
    scf.for %scan3A_190 = %scan3A_89 to %scan3A_91 step %scan3A_92  : i32 {
      %mul3A_191 = arith.constant 8 : i32
      %mul3A_192 = arith.muli %scan3A_190, %mul3A_191 : i32
      %add3A_193 = arith.constant 8 : i32
      %add3A_194 = arith.addi %add3A_193, %mul3A_192 : i32
      %add3A_195 = arith.constant 0 : i32
      %add3A_196 = arith.addi %add3A_194, %add3A_195 : i32
      %dma_wait3A_197 = arith.constant 0 : i32
      %dma_wait3A_198 = arith.constant 0 : i32
      %dma_wait3A_199 = tpu.memref_slice %arg4[%dma_wait3A_197, %dma_wait3A_198] : memref<819200x128xf32, #tpu.memory_space<hbm>> -> memref<200x64xf32, #tpu.memory_space<hbm>>
      %dma_wait3A_200 = arith.constant 0 : i32
      %dma_wait3A_201 = arith.constant 0 : i32
      %dma_wait3A_202 = tpu.memref_slice %arg4[%dma_wait3A_200, %dma_wait3A_201] : memref<819200x128xf32, #tpu.memory_space<hbm>> -> memref<200x64xf32, #tpu.memory_space<hbm>>
      tpu.wait_dma2 semaphore(%arg22 : memref<!tpu.dma_semaphore, #tpu.memory_space<semaphore_mem>>) src(%arg6 : memref<200x64xf32, #tpu.memory_space<vmem>>) dst(%dma_wait3A_202 : memref<200x64xf32, #tpu.memory_space<hbm>>)
      %mul3A_203 = arith.constant 200 : i32
      %mul3A_204 = arith.muli %add3A_196, %mul3A_203 : i32
      %dma_start3A_205 = tpu.memref_slice %arg5[%mul3A_204] : memref<25600xi32, #tpu.memory_space<vmem>> -> memref<200xi32, #tpu.memory_space<vmem>>
      %dma_start3A_206 = arith.constant 0 : i32
      %dma_start3A_207 = arith.constant 0 : i32
      %dma_start3A_208 = tpu.memref_slice %arg3[%dma_start3A_206, %dma_start3A_207] : memref<1015808x64xf32, #tpu.memory_space<hbm>> -> memref<1015808x64xf32, #tpu.memory_space<hbm>>
      tpu.enqueue_indirect_dma source(%dma_start3A_208 : memref<1015808x64xf32, #tpu.memory_space<hbm>>) target(%arg6 : memref<200x64xf32, #tpu.memory_space<vmem>>) offsets(%dma_start3A_205 : memref<200xi32, #tpu.memory_space<vmem>>) semaphore(%arg14 : memref<!tpu.dma_semaphore, #tpu.memory_space<semaphore_mem>>)
      %dma_wait3A_209 = arith.constant 0 : i32
      %dma_wait3A_210 = arith.constant 0 : i32
      %dma_wait3A_211 = tpu.memref_slice %arg4[%dma_wait3A_209, %dma_wait3A_210] : memref<819200x128xf32, #tpu.memory_space<hbm>> -> memref<200x128xf32, #tpu.memory_space<hbm>>
      %dma_wait3A_212 = arith.constant 0 : i32
      %dma_wait3A_213 = arith.constant 0 : i32
      %dma_wait3A_214 = tpu.memref_slice %arg4[%dma_wait3A_212, %dma_wait3A_213] : memref<819200x128xf32, #tpu.memory_space<hbm>> -> memref<200x128xf32, #tpu.memory_space<hbm>>
      tpu.wait_dma2 semaphore(%arg18 : memref<!tpu.dma_semaphore, #tpu.memory_space<semaphore_mem>>) src(%dma_wait3A_214 : memref<200x128xf32, #tpu.memory_space<hbm>>) dst(%arg10 : memref<200x64xf32, #tpu.memory_space<vmem>>)
      %sub3A = arith.constant 4 : i32
      %sub3A_215 = arith.subi %add3A_196, %sub3A : i32
      %mul3A_216 = arith.constant 200 : i32
      %mul3A_217 = arith.muli %sub3A_215, %mul3A_216 : i32
      %add3A_218 = arith.addi %mul3A_2, %mul3A_217 : i32
      %dma_start3A_219 = arith.constant 0 : i32
      %dma_start3A_220 = tpu.memref_slice %arg4[%add3A_218, %dma_start3A_219] : memref<819200x128xf32, #tpu.memory_space<hbm>> -> memref<200x64xf32, #tpu.memory_space<hbm>>
      %dma_start3A_221 = arith.constant 0 : i32
      %dma_start3A_222 = tpu.memref_slice %arg4[%add3A_218, %dma_start3A_221] : memref<819200x128xf32, #tpu.memory_space<hbm>> -> memref<200x64xf32, #tpu.memory_space<hbm>>
      tpu.enqueue_dma source(%arg10 : memref<200x64xf32, #tpu.memory_space<vmem>>) target(%dma_start3A_222 : memref<200x64xf32, #tpu.memory_space<hbm>>) target_semaphore(%arg26 : memref<!tpu.dma_semaphore, #tpu.memory_space<semaphore_mem>>)
      %add3A_223 = arith.constant 1 : i32
      %add3A_224 = arith.addi %add3A_194, %add3A_223 : i32
      %dma_wait3A_225 = arith.constant 0 : i32
      %dma_wait3A_226 = arith.constant 0 : i32
      %dma_wait3A_227 = tpu.memref_slice %arg4[%dma_wait3A_225, %dma_wait3A_226] : memref<819200x128xf32, #tpu.memory_space<hbm>> -> memref<200x64xf32, #tpu.memory_space<hbm>>
      %dma_wait3A_228 = arith.constant 0 : i32
      %dma_wait3A_229 = arith.constant 0 : i32
      %dma_wait3A_230 = tpu.memref_slice %arg4[%dma_wait3A_228, %dma_wait3A_229] : memref<819200x128xf32, #tpu.memory_space<hbm>> -> memref<200x64xf32, #tpu.memory_space<hbm>>
      tpu.wait_dma2 semaphore(%arg23 : memref<!tpu.dma_semaphore, #tpu.memory_space<semaphore_mem>>) src(%arg7 : memref<200x64xf32, #tpu.memory_space<vmem>>) dst(%dma_wait3A_230 : memref<200x64xf32, #tpu.memory_space<hbm>>)
      %mul3A_231 = arith.constant 200 : i32
      %mul3A_232 = arith.muli %add3A_224, %mul3A_231 : i32
      %dma_start3A_233 = tpu.memref_slice %arg5[%mul3A_232] : memref<25600xi32, #tpu.memory_space<vmem>> -> memref<200xi32, #tpu.memory_space<vmem>>
      %dma_start3A_234 = arith.constant 0 : i32
      %dma_start3A_235 = arith.constant 0 : i32
      %dma_start3A_236 = tpu.memref_slice %arg3[%dma_start3A_234, %dma_start3A_235] : memref<1015808x64xf32, #tpu.memory_space<hbm>> -> memref<1015808x64xf32, #tpu.memory_space<hbm>>
      tpu.enqueue_indirect_dma source(%dma_start3A_236 : memref<1015808x64xf32, #tpu.memory_space<hbm>>) target(%arg7 : memref<200x64xf32, #tpu.memory_space<vmem>>) offsets(%dma_start3A_233 : memref<200xi32, #tpu.memory_space<vmem>>) semaphore(%arg15 : memref<!tpu.dma_semaphore, #tpu.memory_space<semaphore_mem>>)
      %dma_wait3A_237 = arith.constant 0 : i32
      %dma_wait3A_238 = arith.constant 0 : i32
      %dma_wait3A_239 = tpu.memref_slice %arg4[%dma_wait3A_237, %dma_wait3A_238] : memref<819200x128xf32, #tpu.memory_space<hbm>> -> memref<200x128xf32, #tpu.memory_space<hbm>>
      %dma_wait3A_240 = arith.constant 0 : i32
      %dma_wait3A_241 = arith.constant 0 : i32
      %dma_wait3A_242 = tpu.memref_slice %arg4[%dma_wait3A_240, %dma_wait3A_241] : memref<819200x128xf32, #tpu.memory_space<hbm>> -> memref<200x128xf32, #tpu.memory_space<hbm>>
      tpu.wait_dma2 semaphore(%arg19 : memref<!tpu.dma_semaphore, #tpu.memory_space<semaphore_mem>>) src(%dma_wait3A_242 : memref<200x128xf32, #tpu.memory_space<hbm>>) dst(%arg11 : memref<200x64xf32, #tpu.memory_space<vmem>>)
      %sub3A_243 = arith.constant 4 : i32
      %sub3A_244 = arith.subi %add3A_224, %sub3A_243 : i32
      %mul3A_245 = arith.constant 200 : i32
      %mul3A_246 = arith.muli %sub3A_244, %mul3A_245 : i32
      %add3A_247 = arith.addi %mul3A_2, %mul3A_246 : i32
      %dma_start3A_248 = arith.constant 0 : i32
      %dma_start3A_249 = tpu.memref_slice %arg4[%add3A_247, %dma_start3A_248] : memref<819200x128xf32, #tpu.memory_space<hbm>> -> memref<200x64xf32, #tpu.memory_space<hbm>>
      %dma_start3A_250 = arith.constant 0 : i32
      %dma_start3A_251 = tpu.memref_slice %arg4[%add3A_247, %dma_start3A_250] : memref<819200x128xf32, #tpu.memory_space<hbm>> -> memref<200x64xf32, #tpu.memory_space<hbm>>
      tpu.enqueue_dma source(%arg11 : memref<200x64xf32, #tpu.memory_space<vmem>>) target(%dma_start3A_251 : memref<200x64xf32, #tpu.memory_space<hbm>>) target_semaphore(%arg27 : memref<!tpu.dma_semaphore, #tpu.memory_space<semaphore_mem>>)
      %add3A_252 = arith.constant 2 : i32
      %add3A_253 = arith.addi %add3A_194, %add3A_252 : i32
      %dma_wait3A_254 = arith.constant 0 : i32
      %dma_wait3A_255 = arith.constant 0 : i32
      %dma_wait3A_256 = tpu.memref_slice %arg4[%dma_wait3A_254, %dma_wait3A_255] : memref<819200x128xf32, #tpu.memory_space<hbm>> -> memref<200x64xf32, #tpu.memory_space<hbm>>
      %dma_wait3A_257 = arith.constant 0 : i32
      %dma_wait3A_258 = arith.constant 0 : i32
      %dma_wait3A_259 = tpu.memref_slice %arg4[%dma_wait3A_257, %dma_wait3A_258] : memref<819200x128xf32, #tpu.memory_space<hbm>> -> memref<200x64xf32, #tpu.memory_space<hbm>>
      tpu.wait_dma2 semaphore(%arg24 : memref<!tpu.dma_semaphore, #tpu.memory_space<semaphore_mem>>) src(%arg8 : memref<200x64xf32, #tpu.memory_space<vmem>>) dst(%dma_wait3A_259 : memref<200x64xf32, #tpu.memory_space<hbm>>)
      %mul3A_260 = arith.constant 200 : i32
      %mul3A_261 = arith.muli %add3A_253, %mul3A_260 : i32
      %dma_start3A_262 = tpu.memref_slice %arg5[%mul3A_261] : memref<25600xi32, #tpu.memory_space<vmem>> -> memref<200xi32, #tpu.memory_space<vmem>>
      %dma_start3A_263 = arith.constant 0 : i32
      %dma_start3A_264 = arith.constant 0 : i32
      %dma_start3A_265 = tpu.memref_slice %arg3[%dma_start3A_263, %dma_start3A_264] : memref<1015808x64xf32, #tpu.memory_space<hbm>> -> memref<1015808x64xf32, #tpu.memory_space<hbm>>
      tpu.enqueue_indirect_dma source(%dma_start3A_265 : memref<1015808x64xf32, #tpu.memory_space<hbm>>) target(%arg8 : memref<200x64xf32, #tpu.memory_space<vmem>>) offsets(%dma_start3A_262 : memref<200xi32, #tpu.memory_space<vmem>>) semaphore(%arg16 : memref<!tpu.dma_semaphore, #tpu.memory_space<semaphore_mem>>)
      %dma_wait3A_266 = arith.constant 0 : i32
      %dma_wait3A_267 = arith.constant 0 : i32
      %dma_wait3A_268 = tpu.memref_slice %arg4[%dma_wait3A_266, %dma_wait3A_267] : memref<819200x128xf32, #tpu.memory_space<hbm>> -> memref<200x128xf32, #tpu.memory_space<hbm>>
      %dma_wait3A_269 = arith.constant 0 : i32
      %dma_wait3A_270 = arith.constant 0 : i32
      %dma_wait3A_271 = tpu.memref_slice %arg4[%dma_wait3A_269, %dma_wait3A_270] : memref<819200x128xf32, #tpu.memory_space<hbm>> -> memref<200x128xf32, #tpu.memory_space<hbm>>
      tpu.wait_dma2 semaphore(%arg20 : memref<!tpu.dma_semaphore, #tpu.memory_space<semaphore_mem>>) src(%dma_wait3A_271 : memref<200x128xf32, #tpu.memory_space<hbm>>) dst(%arg12 : memref<200x64xf32, #tpu.memory_space<vmem>>)
      %sub3A_272 = arith.constant 4 : i32
      %sub3A_273 = arith.subi %add3A_253, %sub3A_272 : i32
      %mul3A_274 = arith.constant 200 : i32
      %mul3A_275 = arith.muli %sub3A_273, %mul3A_274 : i32
      %add3A_276 = arith.addi %mul3A_2, %mul3A_275 : i32
      %dma_start3A_277 = arith.constant 0 : i32
      %dma_start3A_278 = tpu.memref_slice %arg4[%add3A_276, %dma_start3A_277] : memref<819200x128xf32, #tpu.memory_space<hbm>> -> memref<200x64xf32, #tpu.memory_space<hbm>>
      %dma_start3A_279 = arith.constant 0 : i32
      %dma_start3A_280 = tpu.memref_slice %arg4[%add3A_276, %dma_start3A_279] : memref<819200x128xf32, #tpu.memory_space<hbm>> -> memref<200x64xf32, #tpu.memory_space<hbm>>
      tpu.enqueue_dma source(%arg12 : memref<200x64xf32, #tpu.memory_space<vmem>>) target(%dma_start3A_280 : memref<200x64xf32, #tpu.memory_space<hbm>>) target_semaphore(%arg28 : memref<!tpu.dma_semaphore, #tpu.memory_space<semaphore_mem>>)
      %add3A_281 = arith.constant 3 : i32
      %add3A_282 = arith.addi %add3A_194, %add3A_281 : i32
      %dma_wait3A_283 = arith.constant 0 : i32
      %dma_wait3A_284 = arith.constant 0 : i32
      %dma_wait3A_285 = tpu.memref_slice %arg4[%dma_wait3A_283, %dma_wait3A_284] : memref<819200x128xf32, #tpu.memory_space<hbm>> -> memref<200x64xf32, #tpu.memory_space<hbm>>
      %dma_wait3A_286 = arith.constant 0 : i32
      %dma_wait3A_287 = arith.constant 0 : i32
      %dma_wait3A_288 = tpu.memref_slice %arg4[%dma_wait3A_286, %dma_wait3A_287] : memref<819200x128xf32, #tpu.memory_space<hbm>> -> memref<200x64xf32, #tpu.memory_space<hbm>>
      tpu.wait_dma2 semaphore(%arg25 : memref<!tpu.dma_semaphore, #tpu.memory_space<semaphore_mem>>) src(%arg9 : memref<200x64xf32, #tpu.memory_space<vmem>>) dst(%dma_wait3A_288 : memref<200x64xf32, #tpu.memory_space<hbm>>)
      %mul3A_289 = arith.constant 200 : i32
      %mul3A_290 = arith.muli %add3A_282, %mul3A_289 : i32
      %dma_start3A_291 = tpu.memref_slice %arg5[%mul3A_290] : memref<25600xi32, #tpu.memory_space<vmem>> -> memref<200xi32, #tpu.memory_space<vmem>>
      %dma_start3A_292 = arith.constant 0 : i32
      %dma_start3A_293 = arith.constant 0 : i32
      %dma_start3A_294 = tpu.memref_slice %arg3[%dma_start3A_292, %dma_start3A_293] : memref<1015808x64xf32, #tpu.memory_space<hbm>> -> memref<1015808x64xf32, #tpu.memory_space<hbm>>
      tpu.enqueue_indirect_dma source(%dma_start3A_294 : memref<1015808x64xf32, #tpu.memory_space<hbm>>) target(%arg9 : memref<200x64xf32, #tpu.memory_space<vmem>>) offsets(%dma_start3A_291 : memref<200xi32, #tpu.memory_space<vmem>>) semaphore(%arg17 : memref<!tpu.dma_semaphore, #tpu.memory_space<semaphore_mem>>)
      %dma_wait3A_295 = arith.constant 0 : i32
      %dma_wait3A_296 = arith.constant 0 : i32
      %dma_wait3A_297 = tpu.memref_slice %arg4[%dma_wait3A_295, %dma_wait3A_296] : memref<819200x128xf32, #tpu.memory_space<hbm>> -> memref<200x128xf32, #tpu.memory_space<hbm>>
      %dma_wait3A_298 = arith.constant 0 : i32
      %dma_wait3A_299 = arith.constant 0 : i32
      %dma_wait3A_300 = tpu.memref_slice %arg4[%dma_wait3A_298, %dma_wait3A_299] : memref<819200x128xf32, #tpu.memory_space<hbm>> -> memref<200x128xf32, #tpu.memory_space<hbm>>
      tpu.wait_dma2 semaphore(%arg21 : memref<!tpu.dma_semaphore, #tpu.memory_space<semaphore_mem>>) src(%dma_wait3A_300 : memref<200x128xf32, #tpu.memory_space<hbm>>) dst(%arg13 : memref<200x64xf32, #tpu.memory_space<vmem>>)
      %sub3A_301 = arith.constant 4 : i32
      %sub3A_302 = arith.subi %add3A_282, %sub3A_301 : i32
      %mul3A_303 = arith.constant 200 : i32
      %mul3A_304 = arith.muli %sub3A_302, %mul3A_303 : i32
      %add3A_305 = arith.addi %mul3A_2, %mul3A_304 : i32
      %dma_start3A_306 = arith.constant 0 : i32
      %dma_start3A_307 = tpu.memref_slice %arg4[%add3A_305, %dma_start3A_306] : memref<819200x128xf32, #tpu.memory_space<hbm>> -> memref<200x64xf32, #tpu.memory_space<hbm>>
      %dma_start3A_308 = arith.constant 0 : i32
      %dma_start3A_309 = tpu.memref_slice %arg4[%add3A_305, %dma_start3A_308] : memref<819200x128xf32, #tpu.memory_space<hbm>> -> memref<200x64xf32, #tpu.memory_space<hbm>>
      tpu.enqueue_dma source(%arg13 : memref<200x64xf32, #tpu.memory_space<vmem>>) target(%dma_start3A_309 : memref<200x64xf32, #tpu.memory_space<hbm>>) target_semaphore(%arg29 : memref<!tpu.dma_semaphore, #tpu.memory_space<semaphore_mem>>)
      %add3A_310 = arith.constant 4 : i32
      %add3A_311 = arith.addi %add3A_194, %add3A_310 : i32
      %dma_wait3A_312 = arith.constant 0 : i32
      %dma_wait3A_313 = arith.constant 0 : i32
      %dma_wait3A_314 = tpu.memref_slice %arg4[%dma_wait3A_312, %dma_wait3A_313] : memref<819200x128xf32, #tpu.memory_space<hbm>> -> memref<200x64xf32, #tpu.memory_space<hbm>>
      %dma_wait3A_315 = arith.constant 0 : i32
      %dma_wait3A_316 = arith.constant 0 : i32
      %dma_wait3A_317 = tpu.memref_slice %arg4[%dma_wait3A_315, %dma_wait3A_316] : memref<819200x128xf32, #tpu.memory_space<hbm>> -> memref<200x64xf32, #tpu.memory_space<hbm>>
      tpu.wait_dma2 semaphore(%arg26 : memref<!tpu.dma_semaphore, #tpu.memory_space<semaphore_mem>>) src(%arg10 : memref<200x64xf32, #tpu.memory_space<vmem>>) dst(%dma_wait3A_317 : memref<200x64xf32, #tpu.memory_space<hbm>>)
      %mul3A_318 = arith.constant 200 : i32
      %mul3A_319 = arith.muli %add3A_311, %mul3A_318 : i32
      %dma_start3A_320 = tpu.memref_slice %arg5[%mul3A_319] : memref<25600xi32, #tpu.memory_space<vmem>> -> memref<200xi32, #tpu.memory_space<vmem>>
      %dma_start3A_321 = arith.constant 0 : i32
      %dma_start3A_322 = arith.constant 0 : i32
      %dma_start3A_323 = tpu.memref_slice %arg3[%dma_start3A_321, %dma_start3A_322] : memref<1015808x64xf32, #tpu.memory_space<hbm>> -> memref<1015808x64xf32, #tpu.memory_space<hbm>>
      tpu.enqueue_indirect_dma source(%dma_start3A_323 : memref<1015808x64xf32, #tpu.memory_space<hbm>>) target(%arg10 : memref<200x64xf32, #tpu.memory_space<vmem>>) offsets(%dma_start3A_320 : memref<200xi32, #tpu.memory_space<vmem>>) semaphore(%arg18 : memref<!tpu.dma_semaphore, #tpu.memory_space<semaphore_mem>>)
      %dma_wait3A_324 = arith.constant 0 : i32
      %dma_wait3A_325 = arith.constant 0 : i32
      %dma_wait3A_326 = tpu.memref_slice %arg4[%dma_wait3A_324, %dma_wait3A_325] : memref<819200x128xf32, #tpu.memory_space<hbm>> -> memref<200x128xf32, #tpu.memory_space<hbm>>
      %dma_wait3A_327 = arith.constant 0 : i32
      %dma_wait3A_328 = arith.constant 0 : i32
      %dma_wait3A_329 = tpu.memref_slice %arg4[%dma_wait3A_327, %dma_wait3A_328] : memref<819200x128xf32, #tpu.memory_space<hbm>> -> memref<200x128xf32, #tpu.memory_space<hbm>>
      tpu.wait_dma2 semaphore(%arg14 : memref<!tpu.dma_semaphore, #tpu.memory_space<semaphore_mem>>) src(%dma_wait3A_329 : memref<200x128xf32, #tpu.memory_space<hbm>>) dst(%arg6 : memref<200x64xf32, #tpu.memory_space<vmem>>)
      %sub3A_330 = arith.constant 4 : i32
      %sub3A_331 = arith.subi %add3A_311, %sub3A_330 : i32
      %mul3A_332 = arith.constant 200 : i32
      %mul3A_333 = arith.muli %sub3A_331, %mul3A_332 : i32
      %add3A_334 = arith.addi %mul3A_2, %mul3A_333 : i32
      %dma_start3A_335 = arith.constant 0 : i32
      %dma_start3A_336 = tpu.memref_slice %arg4[%add3A_334, %dma_start3A_335] : memref<819200x128xf32, #tpu.memory_space<hbm>> -> memref<200x64xf32, #tpu.memory_space<hbm>>
      %dma_start3A_337 = arith.constant 0 : i32
      %dma_start3A_338 = tpu.memref_slice %arg4[%add3A_334, %dma_start3A_337] : memref<819200x128xf32, #tpu.memory_space<hbm>> -> memref<200x64xf32, #tpu.memory_space<hbm>>
      tpu.enqueue_dma source(%arg6 : memref<200x64xf32, #tpu.memory_space<vmem>>) target(%dma_start3A_338 : memref<200x64xf32, #tpu.memory_space<hbm>>) target_semaphore(%arg22 : memref<!tpu.dma_semaphore, #tpu.memory_space<semaphore_mem>>)
      %add3A_339 = arith.constant 5 : i32
      %add3A_340 = arith.addi %add3A_194, %add3A_339 : i32
      %dma_wait3A_341 = arith.constant 0 : i32
      %dma_wait3A_342 = arith.constant 0 : i32
      %dma_wait3A_343 = tpu.memref_slice %arg4[%dma_wait3A_341, %dma_wait3A_342] : memref<819200x128xf32, #tpu.memory_space<hbm>> -> memref<200x64xf32, #tpu.memory_space<hbm>>
      %dma_wait3A_344 = arith.constant 0 : i32
      %dma_wait3A_345 = arith.constant 0 : i32
      %dma_wait3A_346 = tpu.memref_slice %arg4[%dma_wait3A_344, %dma_wait3A_345] : memref<819200x128xf32, #tpu.memory_space<hbm>> -> memref<200x64xf32, #tpu.memory_space<hbm>>
      tpu.wait_dma2 semaphore(%arg27 : memref<!tpu.dma_semaphore, #tpu.memory_space<semaphore_mem>>) src(%arg11 : memref<200x64xf32, #tpu.memory_space<vmem>>) dst(%dma_wait3A_346 : memref<200x64xf32, #tpu.memory_space<hbm>>)
      %mul3A_347 = arith.constant 200 : i32
      %mul3A_348 = arith.muli %add3A_340, %mul3A_347 : i32
      %dma_start3A_349 = tpu.memref_slice %arg5[%mul3A_348] : memref<25600xi32, #tpu.memory_space<vmem>> -> memref<200xi32, #tpu.memory_space<vmem>>
      %dma_start3A_350 = arith.constant 0 : i32
      %dma_start3A_351 = arith.constant 0 : i32
      %dma_start3A_352 = tpu.memref_slice %arg3[%dma_start3A_350, %dma_start3A_351] : memref<1015808x64xf32, #tpu.memory_space<hbm>> -> memref<1015808x64xf32, #tpu.memory_space<hbm>>
      tpu.enqueue_indirect_dma source(%dma_start3A_352 : memref<1015808x64xf32, #tpu.memory_space<hbm>>) target(%arg11 : memref<200x64xf32, #tpu.memory_space<vmem>>) offsets(%dma_start3A_349 : memref<200xi32, #tpu.memory_space<vmem>>) semaphore(%arg19 : memref<!tpu.dma_semaphore, #tpu.memory_space<semaphore_mem>>)
      %dma_wait3A_353 = arith.constant 0 : i32
      %dma_wait3A_354 = arith.constant 0 : i32
      %dma_wait3A_355 = tpu.memref_slice %arg4[%dma_wait3A_353, %dma_wait3A_354] : memref<819200x128xf32, #tpu.memory_space<hbm>> -> memref<200x128xf32, #tpu.memory_space<hbm>>
      %dma_wait3A_356 = arith.constant 0 : i32
      %dma_wait3A_357 = arith.constant 0 : i32
      %dma_wait3A_358 = tpu.memref_slice %arg4[%dma_wait3A_356, %dma_wait3A_357] : memref<819200x128xf32, #tpu.memory_space<hbm>> -> memref<200x128xf32, #tpu.memory_space<hbm>>
      tpu.wait_dma2 semaphore(%arg15 : memref<!tpu.dma_semaphore, #tpu.memory_space<semaphore_mem>>) src(%dma_wait3A_358 : memref<200x128xf32, #tpu.memory_space<hbm>>) dst(%arg7 : memref<200x64xf32, #tpu.memory_space<vmem>>)
      %sub3A_359 = arith.constant 4 : i32
      %sub3A_360 = arith.subi %add3A_340, %sub3A_359 : i32
      %mul3A_361 = arith.constant 200 : i32
      %mul3A_362 = arith.muli %sub3A_360, %mul3A_361 : i32
      %add3A_363 = arith.addi %mul3A_2, %mul3A_362 : i32
      %dma_start3A_364 = arith.constant 0 : i32
      %dma_start3A_365 = tpu.memref_slice %arg4[%add3A_363, %dma_start3A_364] : memref<819200x128xf32, #tpu.memory_space<hbm>> -> memref<200x64xf32, #tpu.memory_space<hbm>>
      %dma_start3A_366 = arith.constant 0 : i32
      %dma_start3A_367 = tpu.memref_slice %arg4[%add3A_363, %dma_start3A_366] : memref<819200x128xf32, #tpu.memory_space<hbm>> -> memref<200x64xf32, #tpu.memory_space<hbm>>
      tpu.enqueue_dma source(%arg7 : memref<200x64xf32, #tpu.memory_space<vmem>>) target(%dma_start3A_367 : memref<200x64xf32, #tpu.memory_space<hbm>>) target_semaphore(%arg23 : memref<!tpu.dma_semaphore, #tpu.memory_space<semaphore_mem>>)
      %add3A_368 = arith.constant 6 : i32
      %add3A_369 = arith.addi %add3A_194, %add3A_368 : i32
      %dma_wait3A_370 = arith.constant 0 : i32
      %dma_wait3A_371 = arith.constant 0 : i32
      %dma_wait3A_372 = tpu.memref_slice %arg4[%dma_wait3A_370, %dma_wait3A_371] : memref<819200x128xf32, #tpu.memory_space<hbm>> -> memref<200x64xf32, #tpu.memory_space<hbm>>
      %dma_wait3A_373 = arith.constant 0 : i32
      %dma_wait3A_374 = arith.constant 0 : i32
      %dma_wait3A_375 = tpu.memref_slice %arg4[%dma_wait3A_373, %dma_wait3A_374] : memref<819200x128xf32, #tpu.memory_space<hbm>> -> memref<200x64xf32, #tpu.memory_space<hbm>>
      tpu.wait_dma2 semaphore(%arg28 : memref<!tpu.dma_semaphore, #tpu.memory_space<semaphore_mem>>) src(%arg12 : memref<200x64xf32, #tpu.memory_space<vmem>>) dst(%dma_wait3A_375 : memref<200x64xf32, #tpu.memory_space<hbm>>)
      %mul3A_376 = arith.constant 200 : i32
      %mul3A_377 = arith.muli %add3A_369, %mul3A_376 : i32
      %dma_start3A_378 = tpu.memref_slice %arg5[%mul3A_377] : memref<25600xi32, #tpu.memory_space<vmem>> -> memref<200xi32, #tpu.memory_space<vmem>>
      %dma_start3A_379 = arith.constant 0 : i32
      %dma_start3A_380 = arith.constant 0 : i32
      %dma_start3A_381 = tpu.memref_slice %arg3[%dma_start3A_379, %dma_start3A_380] : memref<1015808x64xf32, #tpu.memory_space<hbm>> -> memref<1015808x64xf32, #tpu.memory_space<hbm>>
      tpu.enqueue_indirect_dma source(%dma_start3A_381 : memref<1015808x64xf32, #tpu.memory_space<hbm>>) target(%arg12 : memref<200x64xf32, #tpu.memory_space<vmem>>) offsets(%dma_start3A_378 : memref<200xi32, #tpu.memory_space<vmem>>) semaphore(%arg20 : memref<!tpu.dma_semaphore, #tpu.memory_space<semaphore_mem>>)
      %dma_wait3A_382 = arith.constant 0 : i32
      %dma_wait3A_383 = arith.constant 0 : i32
      %dma_wait3A_384 = tpu.memref_slice %arg4[%dma_wait3A_382, %dma_wait3A_383] : memref<819200x128xf32, #tpu.memory_space<hbm>> -> memref<200x128xf32, #tpu.memory_space<hbm>>
      %dma_wait3A_385 = arith.constant 0 : i32
      %dma_wait3A_386 = arith.constant 0 : i32
      %dma_wait3A_387 = tpu.memref_slice %arg4[%dma_wait3A_385, %dma_wait3A_386] : memref<819200x128xf32, #tpu.memory_space<hbm>> -> memref<200x128xf32, #tpu.memory_space<hbm>>
      tpu.wait_dma2 semaphore(%arg16 : memref<!tpu.dma_semaphore, #tpu.memory_space<semaphore_mem>>) src(%dma_wait3A_387 : memref<200x128xf32, #tpu.memory_space<hbm>>) dst(%arg8 : memref<200x64xf32, #tpu.memory_space<vmem>>)
      %sub3A_388 = arith.constant 4 : i32
      %sub3A_389 = arith.subi %add3A_369, %sub3A_388 : i32
      %mul3A_390 = arith.constant 200 : i32
      %mul3A_391 = arith.muli %sub3A_389, %mul3A_390 : i32
      %add3A_392 = arith.addi %mul3A_2, %mul3A_391 : i32
      %dma_start3A_393 = arith.constant 0 : i32
      %dma_start3A_394 = tpu.memref_slice %arg4[%add3A_392, %dma_start3A_393] : memref<819200x128xf32, #tpu.memory_space<hbm>> -> memref<200x64xf32, #tpu.memory_space<hbm>>
      %dma_start3A_395 = arith.constant 0 : i32
      %dma_start3A_396 = tpu.memref_slice %arg4[%add3A_392, %dma_start3A_395] : memref<819200x128xf32, #tpu.memory_space<hbm>> -> memref<200x64xf32, #tpu.memory_space<hbm>>
      tpu.enqueue_dma source(%arg8 : memref<200x64xf32, #tpu.memory_space<vmem>>) target(%dma_start3A_396 : memref<200x64xf32, #tpu.memory_space<hbm>>) target_semaphore(%arg24 : memref<!tpu.dma_semaphore, #tpu.memory_space<semaphore_mem>>)
      %add3A_397 = arith.constant 7 : i32
      %add3A_398 = arith.addi %add3A_194, %add3A_397 : i32
      %dma_wait3A_399 = arith.constant 0 : i32
      %dma_wait3A_400 = arith.constant 0 : i32
      %dma_wait3A_401 = tpu.memref_slice %arg4[%dma_wait3A_399, %dma_wait3A_400] : memref<819200x128xf32, #tpu.memory_space<hbm>> -> memref<200x64xf32, #tpu.memory_space<hbm>>
      %dma_wait3A_402 = arith.constant 0 : i32
      %dma_wait3A_403 = arith.constant 0 : i32
      %dma_wait3A_404 = tpu.memref_slice %arg4[%dma_wait3A_402, %dma_wait3A_403] : memref<819200x128xf32, #tpu.memory_space<hbm>> -> memref<200x64xf32, #tpu.memory_space<hbm>>
      tpu.wait_dma2 semaphore(%arg29 : memref<!tpu.dma_semaphore, #tpu.memory_space<semaphore_mem>>) src(%arg13 : memref<200x64xf32, #tpu.memory_space<vmem>>) dst(%dma_wait3A_404 : memref<200x64xf32, #tpu.memory_space<hbm>>)
      %mul3A_405 = arith.constant 200 : i32
      %mul3A_406 = arith.muli %add3A_398, %mul3A_405 : i32
      %dma_start3A_407 = tpu.memref_slice %arg5[%mul3A_406] : memref<25600xi32, #tpu.memory_space<vmem>> -> memref<200xi32, #tpu.memory_space<vmem>>
      %dma_start3A_408 = arith.constant 0 : i32
      %dma_start3A_409 = arith.constant 0 : i32
      %dma_start3A_410 = tpu.memref_slice %arg3[%dma_start3A_408, %dma_start3A_409] : memref<1015808x64xf32, #tpu.memory_space<hbm>> -> memref<1015808x64xf32, #tpu.memory_space<hbm>>
      tpu.enqueue_indirect_dma source(%dma_start3A_410 : memref<1015808x64xf32, #tpu.memory_space<hbm>>) target(%arg13 : memref<200x64xf32, #tpu.memory_space<vmem>>) offsets(%dma_start3A_407 : memref<200xi32, #tpu.memory_space<vmem>>) semaphore(%arg21 : memref<!tpu.dma_semaphore, #tpu.memory_space<semaphore_mem>>)
      %dma_wait3A_411 = arith.constant 0 : i32
      %dma_wait3A_412 = arith.constant 0 : i32
      %dma_wait3A_413 = tpu.memref_slice %arg4[%dma_wait3A_411, %dma_wait3A_412] : memref<819200x128xf32, #tpu.memory_space<hbm>> -> memref<200x128xf32, #tpu.memory_space<hbm>>
      %dma_wait3A_414 = arith.constant 0 : i32
      %dma_wait3A_415 = arith.constant 0 : i32
      %dma_wait3A_416 = tpu.memref_slice %arg4[%dma_wait3A_414, %dma_wait3A_415] : memref<819200x128xf32, #tpu.memory_space<hbm>> -> memref<200x128xf32, #tpu.memory_space<hbm>>
      tpu.wait_dma2 semaphore(%arg17 : memref<!tpu.dma_semaphore, #tpu.memory_space<semaphore_mem>>) src(%dma_wait3A_416 : memref<200x128xf32, #tpu.memory_space<hbm>>) dst(%arg9 : memref<200x64xf32, #tpu.memory_space<vmem>>)
      %sub3A_417 = arith.constant 4 : i32
      %sub3A_418 = arith.subi %add3A_398, %sub3A_417 : i32
      %mul3A_419 = arith.constant 200 : i32
      %mul3A_420 = arith.muli %sub3A_418, %mul3A_419 : i32
      %add3A_421 = arith.addi %mul3A_2, %mul3A_420 : i32
      %dma_start3A_422 = arith.constant 0 : i32
      %dma_start3A_423 = tpu.memref_slice %arg4[%add3A_421, %dma_start3A_422] : memref<819200x128xf32, #tpu.memory_space<hbm>> -> memref<200x64xf32, #tpu.memory_space<hbm>>
      %dma_start3A_424 = arith.constant 0 : i32
      %dma_start3A_425 = tpu.memref_slice %arg4[%add3A_421, %dma_start3A_424] : memref<819200x128xf32, #tpu.memory_space<hbm>> -> memref<200x64xf32, #tpu.memory_space<hbm>>
      tpu.enqueue_dma source(%arg9 : memref<200x64xf32, #tpu.memory_space<vmem>>) target(%dma_start3A_425 : memref<200x64xf32, #tpu.memory_space<hbm>>) target_semaphore(%arg25 : memref<!tpu.dma_semaphore, #tpu.memory_space<semaphore_mem>>)
    }
    %scan3A_93 = arith.constant 15 : i32
    %dma_wait3A_94 = arith.constant 0 : i32
    %dma_wait3A_95 = arith.constant 0 : i32
    %dma_wait3A_96 = tpu.memref_slice %arg4[%dma_wait3A_94, %dma_wait3A_95] : memref<819200x128xf32, #tpu.memory_space<hbm>> -> memref<200x128xf32, #tpu.memory_space<hbm>>
    %dma_wait3A_97 = arith.constant 0 : i32
    %dma_wait3A_98 = arith.constant 0 : i32
    %dma_wait3A_99 = tpu.memref_slice %arg4[%dma_wait3A_97, %dma_wait3A_98] : memref<819200x128xf32, #tpu.memory_space<hbm>> -> memref<200x128xf32, #tpu.memory_space<hbm>>
    tpu.wait_dma2 semaphore(%arg18 : memref<!tpu.dma_semaphore, #tpu.memory_space<semaphore_mem>>) src(%dma_wait3A_99 : memref<200x128xf32, #tpu.memory_space<hbm>>) dst(%arg10 : memref<200x64xf32, #tpu.memory_space<vmem>>)
    %add3A_100 = arith.constant 24800 : i32
    %add3A_101 = arith.addi %mul3A_2, %add3A_100 : i32
    %dma_start3A_102 = arith.constant 0 : i32
    %dma_start3A_103 = tpu.memref_slice %arg4[%add3A_101, %dma_start3A_102] : memref<819200x128xf32, #tpu.memory_space<hbm>> -> memref<200x64xf32, #tpu.memory_space<hbm>>
    %dma_start3A_104 = arith.constant 0 : i32
    %dma_start3A_105 = tpu.memref_slice %arg4[%add3A_101, %dma_start3A_104] : memref<819200x128xf32, #tpu.memory_space<hbm>> -> memref<200x64xf32, #tpu.memory_space<hbm>>
    tpu.enqueue_dma source(%arg10 : memref<200x64xf32, #tpu.memory_space<vmem>>) target(%dma_start3A_105 : memref<200x64xf32, #tpu.memory_space<hbm>>) target_semaphore(%arg26 : memref<!tpu.dma_semaphore, #tpu.memory_space<semaphore_mem>>)
    %dma_wait3A_106 = arith.constant 0 : i32
    %dma_wait3A_107 = arith.constant 0 : i32
    %dma_wait3A_108 = tpu.memref_slice %arg4[%dma_wait3A_106, %dma_wait3A_107] : memref<819200x128xf32, #tpu.memory_space<hbm>> -> memref<200x128xf32, #tpu.memory_space<hbm>>
    %dma_wait3A_109 = arith.constant 0 : i32
    %dma_wait3A_110 = arith.constant 0 : i32
    %dma_wait3A_111 = tpu.memref_slice %arg4[%dma_wait3A_109, %dma_wait3A_110] : memref<819200x128xf32, #tpu.memory_space<hbm>> -> memref<200x128xf32, #tpu.memory_space<hbm>>
    tpu.wait_dma2 semaphore(%arg19 : memref<!tpu.dma_semaphore, #tpu.memory_space<semaphore_mem>>) src(%dma_wait3A_111 : memref<200x128xf32, #tpu.memory_space<hbm>>) dst(%arg11 : memref<200x64xf32, #tpu.memory_space<vmem>>)
    %add3A_112 = arith.constant 25000 : i32
    %add3A_113 = arith.addi %mul3A_2, %add3A_112 : i32
    %dma_start3A_114 = arith.constant 0 : i32
    %dma_start3A_115 = tpu.memref_slice %arg4[%add3A_113, %dma_start3A_114] : memref<819200x128xf32, #tpu.memory_space<hbm>> -> memref<200x64xf32, #tpu.memory_space<hbm>>
    %dma_start3A_116 = arith.constant 0 : i32
    %dma_start3A_117 = tpu.memref_slice %arg4[%add3A_113, %dma_start3A_116] : memref<819200x128xf32, #tpu.memory_space<hbm>> -> memref<200x64xf32, #tpu.memory_space<hbm>>
    tpu.enqueue_dma source(%arg11 : memref<200x64xf32, #tpu.memory_space<vmem>>) target(%dma_start3A_117 : memref<200x64xf32, #tpu.memory_space<hbm>>) target_semaphore(%arg27 : memref<!tpu.dma_semaphore, #tpu.memory_space<semaphore_mem>>)
    %dma_wait3A_118 = arith.constant 0 : i32
    %dma_wait3A_119 = arith.constant 0 : i32
    %dma_wait3A_120 = tpu.memref_slice %arg4[%dma_wait3A_118, %dma_wait3A_119] : memref<819200x128xf32, #tpu.memory_space<hbm>> -> memref<200x128xf32, #tpu.memory_space<hbm>>
    %dma_wait3A_121 = arith.constant 0 : i32
    %dma_wait3A_122 = arith.constant 0 : i32
    %dma_wait3A_123 = tpu.memref_slice %arg4[%dma_wait3A_121, %dma_wait3A_122] : memref<819200x128xf32, #tpu.memory_space<hbm>> -> memref<200x128xf32, #tpu.memory_space<hbm>>
    tpu.wait_dma2 semaphore(%arg20 : memref<!tpu.dma_semaphore, #tpu.memory_space<semaphore_mem>>) src(%dma_wait3A_123 : memref<200x128xf32, #tpu.memory_space<hbm>>) dst(%arg12 : memref<200x64xf32, #tpu.memory_space<vmem>>)
    %add3A_124 = arith.constant 25200 : i32
    %add3A_125 = arith.addi %mul3A_2, %add3A_124 : i32
    %dma_start3A_126 = arith.constant 0 : i32
    %dma_start3A_127 = tpu.memref_slice %arg4[%add3A_125, %dma_start3A_126] : memref<819200x128xf32, #tpu.memory_space<hbm>> -> memref<200x64xf32, #tpu.memory_space<hbm>>
    %dma_start3A_128 = arith.constant 0 : i32
    %dma_start3A_129 = tpu.memref_slice %arg4[%add3A_125, %dma_start3A_128] : memref<819200x128xf32, #tpu.memory_space<hbm>> -> memref<200x64xf32, #tpu.memory_space<hbm>>
    tpu.enqueue_dma source(%arg12 : memref<200x64xf32, #tpu.memory_space<vmem>>) target(%dma_start3A_129 : memref<200x64xf32, #tpu.memory_space<hbm>>) target_semaphore(%arg28 : memref<!tpu.dma_semaphore, #tpu.memory_space<semaphore_mem>>)
    %dma_wait3A_130 = arith.constant 0 : i32
    %dma_wait3A_131 = arith.constant 0 : i32
    %dma_wait3A_132 = tpu.memref_slice %arg4[%dma_wait3A_130, %dma_wait3A_131] : memref<819200x128xf32, #tpu.memory_space<hbm>> -> memref<200x128xf32, #tpu.memory_space<hbm>>
    %dma_wait3A_133 = arith.constant 0 : i32
    %dma_wait3A_134 = arith.constant 0 : i32
    %dma_wait3A_135 = tpu.memref_slice %arg4[%dma_wait3A_133, %dma_wait3A_134] : memref<819200x128xf32, #tpu.memory_space<hbm>> -> memref<200x128xf32, #tpu.memory_space<hbm>>
    tpu.wait_dma2 semaphore(%arg21 : memref<!tpu.dma_semaphore, #tpu.memory_space<semaphore_mem>>) src(%dma_wait3A_135 : memref<200x128xf32, #tpu.memory_space<hbm>>) dst(%arg13 : memref<200x64xf32, #tpu.memory_space<vmem>>)
    %add3A_136 = arith.constant 25400 : i32
    %add3A_137 = arith.addi %mul3A_2, %add3A_136 : i32
    %dma_start3A_138 = arith.constant 0 : i32
    %dma_start3A_139 = tpu.memref_slice %arg4[%add3A_137, %dma_start3A_138] : memref<819200x128xf32, #tpu.memory_space<hbm>> -> memref<200x64xf32, #tpu.memory_space<hbm>>
    %dma_start3A_140 = arith.constant 0 : i32
    %dma_start3A_141 = tpu.memref_slice %arg4[%add3A_137, %dma_start3A_140] : memref<819200x128xf32, #tpu.memory_space<hbm>> -> memref<200x64xf32, #tpu.memory_space<hbm>>
    tpu.enqueue_dma source(%arg13 : memref<200x64xf32, #tpu.memory_space<vmem>>) target(%dma_start3A_141 : memref<200x64xf32, #tpu.memory_space<hbm>>) target_semaphore(%arg29 : memref<!tpu.dma_semaphore, #tpu.memory_space<semaphore_mem>>)
    %dma_wait3A_142 = arith.constant 0 : i32
    %dma_wait3A_143 = arith.constant 0 : i32
    %dma_wait3A_144 = tpu.memref_slice %arg4[%dma_wait3A_142, %dma_wait3A_143] : memref<819200x128xf32, #tpu.memory_space<hbm>> -> memref<200x64xf32, #tpu.memory_space<hbm>>
    %dma_wait3A_145 = arith.constant 0 : i32
    %dma_wait3A_146 = arith.constant 0 : i32
    %dma_wait3A_147 = tpu.memref_slice %arg4[%dma_wait3A_145, %dma_wait3A_146] : memref<819200x128xf32, #tpu.memory_space<hbm>> -> memref<200x64xf32, #tpu.memory_space<hbm>>
    tpu.wait_dma2 semaphore(%arg22 : memref<!tpu.dma_semaphore, #tpu.memory_space<semaphore_mem>>) src(%arg6 : memref<200x64xf32, #tpu.memory_space<vmem>>) dst(%dma_wait3A_147 : memref<200x64xf32, #tpu.memory_space<hbm>>)
    %dma_wait3A_148 = arith.constant 0 : i32
    %dma_wait3A_149 = arith.constant 0 : i32
    %dma_wait3A_150 = tpu.memref_slice %arg4[%dma_wait3A_148, %dma_wait3A_149] : memref<819200x128xf32, #tpu.memory_space<hbm>> -> memref<200x64xf32, #tpu.memory_space<hbm>>
    %dma_wait3A_151 = arith.constant 0 : i32
    %dma_wait3A_152 = arith.constant 0 : i32
    %dma_wait3A_153 = tpu.memref_slice %arg4[%dma_wait3A_151, %dma_wait3A_152] : memref<819200x128xf32, #tpu.memory_space<hbm>> -> memref<200x64xf32, #tpu.memory_space<hbm>>
    tpu.wait_dma2 semaphore(%arg23 : memref<!tpu.dma_semaphore, #tpu.memory_space<semaphore_mem>>) src(%arg7 : memref<200x64xf32, #tpu.memory_space<vmem>>) dst(%dma_wait3A_153 : memref<200x64xf32, #tpu.memory_space<hbm>>)
    %dma_wait3A_154 = arith.constant 0 : i32
    %dma_wait3A_155 = arith.constant 0 : i32
    %dma_wait3A_156 = tpu.memref_slice %arg4[%dma_wait3A_154, %dma_wait3A_155] : memref<819200x128xf32, #tpu.memory_space<hbm>> -> memref<200x64xf32, #tpu.memory_space<hbm>>
    %dma_wait3A_157 = arith.constant 0 : i32
    %dma_wait3A_158 = arith.constant 0 : i32
    %dma_wait3A_159 = tpu.memref_slice %arg4[%dma_wait3A_157, %dma_wait3A_158] : memref<819200x128xf32, #tpu.memory_space<hbm>> -> memref<200x64xf32, #tpu.memory_space<hbm>>
    tpu.wait_dma2 semaphore(%arg24 : memref<!tpu.dma_semaphore, #tpu.memory_space<semaphore_mem>>) src(%arg8 : memref<200x64xf32, #tpu.memory_space<vmem>>) dst(%dma_wait3A_159 : memref<200x64xf32, #tpu.memory_space<hbm>>)
    %dma_wait3A_160 = arith.constant 0 : i32
    %dma_wait3A_161 = arith.constant 0 : i32
    %dma_wait3A_162 = tpu.memref_slice %arg4[%dma_wait3A_160, %dma_wait3A_161] : memref<819200x128xf32, #tpu.memory_space<hbm>> -> memref<200x64xf32, #tpu.memory_space<hbm>>
    %dma_wait3A_163 = arith.constant 0 : i32
    %dma_wait3A_164 = arith.constant 0 : i32
    %dma_wait3A_165 = tpu.memref_slice %arg4[%dma_wait3A_163, %dma_wait3A_164] : memref<819200x128xf32, #tpu.memory_space<hbm>> -> memref<200x64xf32, #tpu.memory_space<hbm>>
    tpu.wait_dma2 semaphore(%arg25 : memref<!tpu.dma_semaphore, #tpu.memory_space<semaphore_mem>>) src(%arg9 : memref<200x64xf32, #tpu.memory_space<vmem>>) dst(%dma_wait3A_165 : memref<200x64xf32, #tpu.memory_space<hbm>>)
    %dma_wait3A_166 = arith.constant 0 : i32
    %dma_wait3A_167 = arith.constant 0 : i32
    %dma_wait3A_168 = tpu.memref_slice %arg4[%dma_wait3A_166, %dma_wait3A_167] : memref<819200x128xf32, #tpu.memory_space<hbm>> -> memref<200x64xf32, #tpu.memory_space<hbm>>
    %dma_wait3A_169 = arith.constant 0 : i32
    %dma_wait3A_170 = arith.constant 0 : i32
    %dma_wait3A_171 = tpu.memref_slice %arg4[%dma_wait3A_169, %dma_wait3A_170] : memref<819200x128xf32, #tpu.memory_space<hbm>> -> memref<200x64xf32, #tpu.memory_space<hbm>>
    tpu.wait_dma2 semaphore(%arg26 : memref<!tpu.dma_semaphore, #tpu.memory_space<semaphore_mem>>) src(%arg10 : memref<200x64xf32, #tpu.memory_space<vmem>>) dst(%dma_wait3A_171 : memref<200x64xf32, #tpu.memory_space<hbm>>)
    %dma_wait3A_172 = arith.constant 0 : i32
    %dma_wait3A_173 = arith.constant 0 : i32
    %dma_wait3A_174 = tpu.memref_slice %arg4[%dma_wait3A_172, %dma_wait3A_173] : memref<819200x128xf32, #tpu.memory_space<hbm>> -> memref<200x64xf32, #tpu.memory_space<hbm>>
    %dma_wait3A_175 = arith.constant 0 : i32
    %dma_wait3A_176 = arith.constant 0 : i32
    %dma_wait3A_177 = tpu.memref_slice %arg4[%dma_wait3A_175, %dma_wait3A_176] : memref<819200x128xf32, #tpu.memory_space<hbm>> -> memref<200x64xf32, #tpu.memory_space<hbm>>
    tpu.wait_dma2 semaphore(%arg27 : memref<!tpu.dma_semaphore, #tpu.memory_space<semaphore_mem>>) src(%arg11 : memref<200x64xf32, #tpu.memory_space<vmem>>) dst(%dma_wait3A_177 : memref<200x64xf32, #tpu.memory_space<hbm>>)
    %dma_wait3A_178 = arith.constant 0 : i32
    %dma_wait3A_179 = arith.constant 0 : i32
    %dma_wait3A_180 = tpu.memref_slice %arg4[%dma_wait3A_178, %dma_wait3A_179] : memref<819200x128xf32, #tpu.memory_space<hbm>> -> memref<200x64xf32, #tpu.memory_space<hbm>>
    %dma_wait3A_181 = arith.constant 0 : i32
    %dma_wait3A_182 = arith.constant 0 : i32
    %dma_wait3A_183 = tpu.memref_slice %arg4[%dma_wait3A_181, %dma_wait3A_182] : memref<819200x128xf32, #tpu.memory_space<hbm>> -> memref<200x64xf32, #tpu.memory_space<hbm>>
    tpu.wait_dma2 semaphore(%arg28 : memref<!tpu.dma_semaphore, #tpu.memory_space<semaphore_mem>>) src(%arg12 : memref<200x64xf32, #tpu.memory_space<vmem>>) dst(%dma_wait3A_183 : memref<200x64xf32, #tpu.memory_space<hbm>>)
    %dma_wait3A_184 = arith.constant 0 : i32
    %dma_wait3A_185 = arith.constant 0 : i32
    %dma_wait3A_186 = tpu.memref_slice %arg4[%dma_wait3A_184, %dma_wait3A_185] : memref<819200x128xf32, #tpu.memory_space<hbm>> -> memref<200x64xf32, #tpu.memory_space<hbm>>
    %dma_wait3A_187 = arith.constant 0 : i32
    %dma_wait3A_188 = arith.constant 0 : i32
    %dma_wait3A_189 = tpu.memref_slice %arg4[%dma_wait3A_187, %dma_wait3A_188] : memref<819200x128xf32, #tpu.memory_space<hbm>> -> memref<200x64xf32, #tpu.memory_space<hbm>>
    tpu.wait_dma2 semaphore(%arg29 : memref<!tpu.dma_semaphore, #tpu.memory_space<semaphore_mem>>) src(%arg13 : memref<200x64xf32, #tpu.memory_space<vmem>>) dst(%dma_wait3A_189 : memref<200x64xf32, #tpu.memory_space<hbm>>)
    return
  }
}

</mosaic_0001>

<sc_bundles>
// kernel: _sc_gather.3.cloned.1.call-start
scs
__scs_entry_jumppad:
0x0: {  	(pc) =	sbr.rel $0x88, $3  }
0x1: {  	(tag) =	ssettag $0x0;
	lr =	simm.s32 $0x1  }
0x2: {  	[smem:$0x3F9F] =	sst lr;
	_ =	strace $0xD0000000  }
0x3: {  	_ = 	snop  }
0x4: {  	_ = 	snop  }
0x5: {  	_ = 	snop  }
0x6: {  	_ = 	snop  }
0x7: {  	_ = 	snop  }
__scs_overlays_trampoline_lowered:
0x8: {  	[smem:$0x3FAE] =	sst s0  }
0x9: {  	[smem:$0x3FAF] =	sst s1  }
0xa: {  	[smem:$0x3FB0] =	sst s2  }
0xb: {  	[smem:$0x3FB1] =	sst s3  }
0xc: {  	[smem:$0x3FB2] =	sst s4  }
0xd: {  	[smem:$0x3FB3] =	sst s5  }
0xe: {  	[smem:$0x3FB4] =	sst s6  }
0xf: {  	[smem:$0x3FB5] =	sst s7  }
0x10: {  	[smem:$0x3FB6] =	sst s8  }
0x11: {  	[smem:$0x3FB7] =	sst s9;
	s0 =	simm.s32 @!p0 $0x0  }
0x12: {  	s1 =	sld [smem:$0x3F9D];
	s0 =	simm.s32 @p0 $0x1  }
0x13: {  	[smem:$0x3FB8] =	sst s0;
	s0 =	simm.s32 @!p1 $0x0  }
0x14: {  	s2 =	sld [smem:$0x3F9C];
	s0 =	simm.s32 @p1 $0x1  }
0x15: {  	[smem:$0x3FB9] =	sst s0;
	s0 =	simm.s32 @!p2 $0x0  }
0x16: {  	s3 =	sld [smem:$0x3FDB];
	s0 =	simm.s32 @p2 $0x1  }
0x17: {  	s4 =	simm.s32 $0x1BF5;
	[smem:$0x3FBB] =	sst s0  }
0x18: {  	s0 =	sld [smem:$0x3F9E];
	_ =	swait.ge [sflag:s4], $0x0  }
0x19: {  	s7 =	sld [smem:$0x3F9F]  }
0x1a: {  	s8 =	sadd.s32 $0xFFFFE003, lr  }
0x1b: {  	s9 =	sadd.s32 $0xFFFFFEF7, lr;
	s5 =	simm.s32 $0xFFFFFFFF;
	p2 =	slt.u32 s8, $0xFFFFF086  }
0x1c: {  	p1 =	slt.u32 s9, $0xF7A;
	s5 =	simm.s32 @!p2 $0x0  }
0x1d: {  	s5 =	simm.s32 @p1 $0x1;
	p0 =	seq.s32 s7, s2  }
0x1e: {  	s7 =	smul.u32 @!p0 $0xF7A, s2;
	p2 =	seq.s32 @!p0 s5, $0x0  }
0x1f: {  	s9 =	smul.u32 $0xF7A, s1;
	s8 =	simm.s32 @!p0 $0x1BF5;
	p2 =	por !p2, p0  }
0x20: {  	[sflag:s8] =	ssyncset.s32 @!p0 $0xFFFFF086;
	s6 =	sadd.s32 @!p0 s3, s7;
	s7 =	simm.s32 @!p0 $0x108  }
0x21: {  	s3 =	sadd.s32 s3, s9;
	s6 =	sadd.s32 @!p0 $0x88, s6;
	s7 =	simm.s32 @p2 $0x1082  }
0x22: {  	[simem:s7], [sflag:s8] =	dma.local @!p0 [hbm:s6], $0xF7A  }
0x23: {  	s9 =	sor.u32 $0xD0000000, s2;
	s6 =	simm.s32 $0x108;
	_ =	swait.ge @!p0 [sflag:s8], $0x0  }
0x24: {  	s3 =	sadd.s32 $0x88, s3;
	s6 =	simm.s32 @!p1 $0x1082;
	[sflag:s4] =	ssyncset.s32 $0xFFFFF086  }
0x25: {  	[simem:s6], [sflag:s4] =	dma.local [hbm:s3], $0xF7A  }
0x26: {  	[smem:$0x3F9F] =	sst s1;
	(tag) =	ssettag s2;
	_ =	strace s9  }
0x27: {  	s1 =	sld [smem:$0x3FAF]  }
0x28: {  	s2 =	sld [smem:$0x3FB0]  }
0x29: {  	s4 =	sld [smem:$0x3FB2]  }
0x2a: {  	p0 =	seq.s32 s5, $0x0;
	s5 =	sld [smem:$0x3FB3]  }
0x2b: {  	s6 =	sld [smem:$0x3FB4]  }
0x2c: {  	s7 =	sld [smem:$0x3FB5]  }
0x2d: {  	s3 =	simm.s32 $0x108;
	s8 =	sld [smem:$0x3FB6]  }
0x2e: {  	s3 =	simm.s32 @!p0 $0x1082;
	s9 =	sld [smem:$0x3FB7]  }
0x2f: {  	lr =	sadd.s32 s0, s3;
	s0 =	sld [smem:$0x3FAE]  }
0x30: {  	s3 =	sld [smem:$0x3FB1]  }
0x31: {  	[smem:$0x3FBA] =	sst s10  }
0x32: {  	s10 =	sld [smem:$0x3FB8];
	_ =	sdelay $0x3  }
0x33: {  	p0 =	seq.s32 s10, $0x1;
	s10 =	sld [smem:$0x3FBA];
	_ =	sdelay $0x3  }
0x34: {  	[smem:$0x3FBA] =	sst s10  }
0x35: {  	s10 =	sld [smem:$0x3FB9];
	_ =	sdelay $0x3  }
0x36: {  	p1 =	seq.s32 s10, $0x1;
	s10 =	sld [smem:$0x3FBA];
	_ =	sdelay $0x3  }
0x37: {  	[smem:$0x3FBA] =	sst s10  }
0x38: {  	s10 =	sld [smem:$0x3FBB]  }
0x39: {  	_ = 	snop;
	(pc) =	sbr.ind lr, $3  }
0x3a: {  	_ = 	snop  }
0x3b: {  	_ = 	snop  }
0x3c: {  	p2 =	seq.s32 s10, $0x1;
	s10 =	sld [smem:$0x3FBA]  }
0x3d: {  	_ =	shalt  }
0x3e: {  	_ =	shalt  }
0x3f: {  	_ =	shalt  }
0x40: {  	_ =	shalt  }
0x41: {  	_ =	shalt  }
0x42: {  	_ =	shalt  }
0x43: {  	_ =	shalt  }
0x44: {  	_ =	shalt  }
0x45: {  	_ =	shalt  }
0x46: {  	_ =	shalt  }
0x47: {  	_ =	shalt  }
0x48: {  	_ =	shalt  }
0x49: {  	_ =	shalt  }
0x4a: {  	_ =	shalt  }
0x4b: {  	_ =	shalt  }
0x4c: {  	_ =	shalt  }
0x4d: {  	_ =	shalt  }
0x4e: {  	_ =	shalt  }
0x4f: {  	_ =	shalt  }
0x50: {  	_ =	shalt  }
0x51: {  	_ =	shalt  }
0x52: {  	_ =	shalt  }
0x53: {  	_ =	shalt  }
0x54: {  	_ =	shalt  }
0x55: {  	_ =	shalt  }
0x56: {  	_ =	shalt  }
0x57: {  	_ =	shalt  }
0x58: {  	_ =	shalt  }
0x59: {  	_ =	shalt  }
0x5a: {  	_ =	shalt  }
0x5b: {  	_ =	shalt  }
0x5c: {  	_ =	shalt  }
0x5d: {  	_ =	shalt  }
0x5e: {  	_ =	shalt  }
0x5f: {  	_ =	shalt  }
0x60: {  	_ =	shalt  }
0x61: {  	_ =	shalt  }
0x62: {  	_ =	shalt  }
0x63: {  	_ =	shalt  }
0x64: {  	_ =	shalt  }
0x65: {  	_ =	shalt  }
0x66: {  	_ =	shalt  }
0x67: {  	_ =	shalt  }
0x68: {  	_ =	shalt  }
0x69: {  	_ =	shalt  }
0x6a: {  	_ =	shalt  }
0x6b: {  	_ =	shalt  }
0x6c: {  	_ =	shalt  }
0x6d: {  	_ =	shalt  }
0x6e: {  	_ =	shalt  }
0x6f: {  	_ =	shalt  }
0x70: {  	_ =	shalt  }
0x71: {  	_ =	shalt  }
0x72: {  	_ =	shalt  }
0x73: {  	_ =	shalt  }
0x74: {  	_ =	shalt  }
0x75: {  	_ =	shalt  }
0x76: {  	_ =	shalt  }
0x77: {  	_ =	shalt  }
0x78: {  	_ =	shalt  }
0x79: {  	_ =	shalt  }
0x7a: {  	_ =	shalt  }
0x7b: {  	_ =	shalt  }
0x7c: {  	_ =	shalt  }
0x7d: {  	_ =	shalt  }
0x7e: {  	_ =	shalt  }
0x7f: {  	_ =	shalt  }
0x80: {  	_ =	shalt  }
0x81: {  	_ =	shalt  }
0x82: {  	_ =	shalt  }
0x83: {  	_ =	shalt  }
0x84: {  	_ =	shalt  }
0x85: {  	_ =	shalt  }
0x86: {  	_ =	shalt  }
0x87: {  	_ =	shalt  }
.Lfunc_end0:
.L_simem_size_0:
called_computation_lowered:
.L_overlay_start_0:
0x88: {  	s2 =	sld [smem:$0x3FD9]  }
0x89: {  	s3 =	sld [smem:$0x3FFE];
	_ =	sdelay $0x1  }
0x8a: {  	s1 =	srdreg.scid  }
0x8b: {  	s0 =	sand.u32 $0x1, s1  }
0x8c: {  	s17 =	sshll.u32 s0, $0xA;
	s2 =	sadd.s32 s3, s2  }
0x8d: {  	s2 =	sadd.s32 s2, s17  }
0x8e: {  	[smem:$0x3FC6] =	sst s2  }
0x8f: {  	_ = 	snop  }
0x90: {  	s2 =	sld [smem:$0x3FC9]  }
0x91: {  	s18 =	sld [smem:$0x3FD0];
	(tm) =	ssettm $0x1  }
0x92: {  	s4 =	sld [smem:$0x3FFB];
	_ =	sdelay $0x3  }
0x93: {  	_ =	strace s4  }
0x94: {  	s4 =	sld [smem:$0x3FFC];
	_ =	sdelay $0x3  }
0x95: {  	_ =	strace s4  }
0x96: {  	s4 =	sld [smem:$0x3FFD];
	_ =	sdelay $0x3  }
0x97: {  	_ =	strace s4  }
0x98: {  	_ =	strace $0x8FFFFFFF  }
0x99: {  	s19 =	sld [smem:$0x3FDB];
	_ =	sdelay $0x1  }
0x9a: {  	s5 =	simm.s32 $_scs_section_size  }
0x9b: {  	s6 =	simm.s32 $_size__tile_overlayer_lowered;
	s7 =	simm.s32 $_tile_overlayer_lowered  }
0x9c: {  	s22 =	simm.s32 $0x1BFF;
	s21 =	sshll.u32 s7, $0x1;
	s4 =	sadd.s32 s5, s19  }
0x9d: {  	s8 =	simm.s32 $0x0;
	s20 =	sshll.u32 s6, $0x1;
	s6 =	sadd.s32 s21, s4  }
0x9e: {  	[timem:s8], [sflag:s22] =	dma.local [hbm:s6], s20  }
0x9f: {  	_ =	swait.ge [sflag:s22], s20  }
0xa0: {  	s5 =	ssub.s32 $0x0, s20;
	[sflag:s22] =	ssyncset.done $0x0  }
0xa1: {  	[sflag:s22] =	ssyncadd.s32 s5;
	_ =	sdelay $0x1  }
0xa2: {  	s23 =	simm.s32 $0x1B8B  }
0xa3: {  	_ =	swait.ge [sflag:s23], $0x1  }
0xa4: {  	[sflag:s23] =	ssyncset.done $0x0  }
0xa5: {  	s25 =	simm.s32 $0x1B8E;
	s24 =	sld [smem:$0x3FFE];
	[sflag:s23] =	ssyncadd.s32 $0xFFFFFFFF  }
0xa6: {  	s26 =	simm.s32 $execute0_lowered;
	[smem:$0x3FD2] =	sst s25  }
0xa7: {  	s6 =	sshll.u32 s26, $0x1;
	_ =	strace $0x80000046;
	[dreg:$0x1] =	wrdreg $0xFFFFFFFF  }
0xa8: {  	s28 =	simm.s32 $_size_execute0_lowered;
	s4 =	sadd.s32 s4, s6;
	[dreg:$0x0] =	wrdreg $0x0  }
0xa9: {  	s6 =	sshll.u32 s28, $0x1;
	[dreg:$0x2] =	wrdreg s4  }
0xaa: {  	[dreg:$0x3] =	wrdreg s6  }
0xab: {  	[dreg:$0x4] =	wrdreg $0xC0  }
0xac: {  	_ =	task [dreg:s8], $0x5FFFF  }
0xad: {  	[dreg:$0x1] =	wrdreg $0xFFFFFFFF  }
0xae: {  	[dreg:$0x0] =	wrdreg $0x60  }
0xaf: {  	[dreg:$0x2] =	wrdreg s2  }
0xb0: {  	[dreg:$0x3] =	wrdreg s24  }
0xb1: {  	[dreg:$0x4] =	wrdreg s18  }
0xb2: {  	[dreg:$0x5] =	wrdreg $0x9  }
0xb3: {  	_ =	task.clear_ibuf [dreg:s8], $0x6FFFF;
	_ =	strace $0x90000046  }
0xb4: {  	s29 =	simm.s32 $0x9;
	_ =	strace $0x80000048  }
0xb5: {  	_ =	swait.ge [sflag:s29], $0x1  }
0xb6: {  	[sflag:s29] =	ssyncadd.s32 $0xFFFFFFFF  }
0xb7: {  	_ =	strace $0x90000048  }
0xb8: {  	_ =	sfence  }
0xb9: {  	s30 =	sld [smem:$0x0];
	_ =	sdelay $0x2  }
0xba: {  	s31 =	sshll.u32 s1, $0xD;
	s1 =	sshrl.u32 s1, $0x2  }
0xbb: {  	s3 =	sand.u32 $0x4000, s31;
	s1 =	sadd.s32 s1, s30  }
0xbc: {  	s0 =	sor.u32 s3, s0;
	s1 =	sshll.u32 s1, $0x11  }
0xbd: {  	s0 =	sor.u32 s1, s0  }
0xbe: {  	s0 =	sadd.s32 $0x8F2B, s0  }
0xbf: {  	[sflag:s0] =	ssyncadd.remote.s32 $0x1  }
0xc0: {  	_ =	sfence.sel $0xFFFF  }
0xc1: {  	[dreg:$0x0] =	wrdreg $0xFFFFFFFF;
	(pc) =	sbr.abs _section_cstart, $3  }
0xc2: {  	[dreg:$0x1] =	wrdreg $0xFFFFFFFF  }
0xc3: {  	_ =	task.clear_ibuf [dreg:s8], $0x2FFFF;
	_ =	strace $0x9FFFFFFF  }
0xc4: {  	(tm) =	ssettm $0x7FFFFFFF  }
0xc5: {  	_ =	shalt  }
tec
execute0_lowered:
.L_overlay_start_1:
0x0: {  	(tag) =	ssettag $0x1  }
0x1: {  	s0 =	srdreg.scid;
	s1 =	rddreg [dreg:$0x0]  }
0x2: {  	s4 =	stileid.u32;
	s3 =	rddreg [dreg:$0x1]  }
0x3: {  	s10 =	rddreg [dreg:$0x2];
	s7 =	simm.s32 $0x0;
	s28 =	simm.s32 $0x80  }
0x4: {  	s29 =	simm.s32 $0x4;
	s0 =	sand.u32 $0x1, s0;
	s2 =	sshll.u32 s4, $0x1  }
0x5: {  	s31 =	simm.s32 $0x1;
	s8 =	smul.u32 $0xC800, s4;
	s2 =	sor.u32 s0, s2  }
0x6: {  	[smem:$0x7FF] =	sst s7;
	s30 =	ssub.s32 $0x2, s0;
	s6 =	smul.u32 $0x64000, s2  }
0x7: {  	s4 =	sadd.s32 $0xF80400, s3;
	s5 =	smul.u32 $0x6400, s2;
	s9 =	sshrl.u32 s30, $0x1  }
0x8: {  	_ =	strace $0x80000047;
	s11 =	ssub.s32 s30, s9;
	s12 =	sadd.s32 s10, s6  }
0x9: {  	s5 =	sshrl.u32 s5, $0x3;
	s30 =	smax.u32 s11, $0x1;
	[dreg:$0xd] =	wrdreg s12  }
0xa: {  	s0 =	smul.u32 $0x6400, s0;
	s1 =	sadd.s32 s1, s5;
	[dreg:$0x15] =	wrdreg s30  }
0xb: {  	s3 =	simm.s32 $0xA;
	s13 =	sadd.s32 $0xC80, s12;
	[dreg:$0xc] =	wrdreg s1  }
0xc: {  	s0 =	sadd.s32 s0, s8;
	s15 =	sadd.s32 $0x1900, s12;
	[dreg:$0xe] =	wrdreg s13  }
0xd: {  	s0 =	sshll.u32 s0, $0x4;
	s16 =	sadd.s32 $0x2580, s12;
	[dreg:$0xf] =	wrdreg s15  }
0xe: {  	s7 =	simm.s32 $0xB;
	s17 =	sadd.s32 $0x5780, s0;
	[dreg:$0x10] =	wrdreg s16  }
0xf: {  	s14 =	smul.u32 $0x320000, s2;
	s18 =	sadd.s32 $0x4B00, s0;
	[dreg:$0x4] =	wrdreg s17  }
0x10: {  	s8 =	simm.s32 $0x7;
	s19 =	sor.u32 $0x3E80, s0;
	[dreg:$0x5] =	wrdreg s18  }
0x11: {  	s9 =	simm.s32 $0xC;
	s21 =	sor.u32 $0x3200, s0;
	[dreg:$0x6] =	wrdreg s19  }
0x12: {  	s11 =	simm.s32 $0xD;
	s23 =	sadd.s32 $0x8980, s0;
	[dreg:$0x7] =	wrdreg s21  }
0x13: {  	s25 =	sadd.s32 $0x7D00, s0;
	s26 =	sadd.s32 $0x7080, s0;
	[dreg:$0x8] =	wrdreg s23  }
0x14: {  	s0 =	sadd.s32 $0x6400, s0;
	s5 =	simm.s32 $0x6;
	[dreg:$0x9] =	wrdreg s25  }
0x15: {  	s12 =	simm.s32 $0xE;
	s1 =	sshrl.u32 s14, $0x3;
	[dreg:$0xa] =	wrdreg s26  }
0x16: {  	[dreg:$0xb] =	wrdreg s0;
	s16 =	simm.s32 $0xC8;
	s15 =	simm.s32 $0x6400  }
0x17: {  	s18 =	simm.s32 $0x9600;
	s26 =	simm.s32 $0x40;
	s1 =	sadd.s32 s10, s1  }
0x18: {  	s19 =	simm.s32 $0x2;
	s25 =	simm.s32 $0x3;
	s20 =	sadd.s32 $0x60E00, s1  }
0x19: {  	s21 =	simm.s32 $0x5;
	s22 =	sadd.s32 $0x61A80, s1;
	[dreg:$0x11] =	wrdreg s20  }
0x1a: {  	s13 =	simm.s32 $0xF;
	s24 =	sadd.s32 $0x62700, s1;
	[dreg:$0x12] =	wrdreg s22  }
0x1b: {  	s14 =	simm.s32 $0x10;
	s1 =	sadd.s32 $0x63380, s1;
	[dreg:$0x13] =	wrdreg s24  }
0x1c: {  	s0 =	simm.s32 $0x0;
	s10 =	simm.s32 $0x8;
	[dreg:$0x14] =	wrdreg s1  }
0x1d: {  	s20 =	simm.s32 $0xC800;
	s24 =	simm.s32 $0x1;
	s1 =	simm.s32 $0x9  }
.LBB2_1:
0x1e: {  	[dreg:$0x16] =	wrdreg s0  }
0x1f: {  	s2 =	simm.s32 $0x0;
	s6 =	rddreg [dreg:$0xc];
	s23 =	simm.s32 $0x11  }
0x20: {  	[tilespmem:s2], [sflag:$0x11] =	stream.linear.gather [hbm4b:s6+s2], $0x6400, $0x38;
	[tilespmem:$0x1F400] =	vst v63  }
0x21: {  	_ =	swait.ge [sflag:s23], $0x6400  }
0x22: {  	[sflag:s23] =	ssyncset.done $0x0  }
0x23: {  	[sflag:s23] =	ssyncadd.s32 $0xFFFF9C00  }
0x24: {  	[tilespmem:s15], [sflag:$0x1] =	stream.indirect.gather [hbm4b:s4+s16], $0x40, s2, s16, $0xb8;
	[tilespmem:$0x1F400] =	vst v63  }
0x25: {  	_ = 	snop  }
0x26: {  	[tilespmem:s18], [sflag:$0x2] =	stream.indirect.gather [hbm4b:s4+s16], $0x40, s16, s16, $0xb8;
	[tilespmem:$0x1F400] =	vst v63  }
0x27: {  	s30 =	simm.s32 $0x190  }
0x28: {  	[tilespmem:s20], [sflag:$0x3] =	stream.indirect.gather [hbm4b:s4+s16], $0x40, s30, s16, $0xb8;
	[tilespmem:$0x1F400] =	vst v63  }
0x29: {  	s0 =	simm.s32 $0x258;
	s6 =	simm.s32 $0xFA00  }
0x2a: {  	[tilespmem:s6], [sflag:$0x4] =	stream.indirect.gather [hbm4b:s4+s16], $0x40, s0, s16, $0xb8;
	[tilespmem:$0x1F400] =	vst v63  }
0x2b: {  	s17 =	simm.s32 $0x320;
	s0 =	simm.s32 $0x12C00  }
0x2c: {  	[tilespmem:s0], [sflag:$0x5] =	stream.indirect.gather [hbm4b:s4+s16], $0x40, s17, s16, $0xb8;
	[tilespmem:$0x1F400] =	vst v63  }
0x2d: {  	_ =	swait.ge [sflag:s24], $0x3200  }
0x2e: {  	[sflag:s24] =	ssyncset.done $0x0  }
0x2f: {  	s22 =	rddreg [dreg:$0xd];
	[sflag:s24] =	ssyncadd.s32 $0xFFFFCE00  }
0x30: {  	[hbm4b:s22+s26] =	stream.strided.scatter [tilespmem:s15], [sflag:$0x9], $0x3200, s28, s26, $0x38;
	[tilespmem:$0x1F400] =	vst v63  }
0x31: {  	s23 =	simm.s32 $0x3E8;
	s22 =	simm.s32 $0x15E00  }
0x32: {  	[tilespmem:s22], [sflag:$0x6] =	stream.indirect.gather [hbm4b:s4+s16], $0x40, s23, s16, $0xb8;
	[tilespmem:$0x1F400] =	vst v63  }
0x33: {  	_ =	swait.ge [sflag:s19], $0x3200  }
0x34: {  	[sflag:s19] =	ssyncset.done $0x0  }
0x35: {  	s30 =	rddreg [dreg:$0xe];
	[sflag:s19] =	ssyncadd.s32 $0xFFFFCE00  }
0x36: {  	[hbm4b:s30+s26] =	stream.strided.scatter [tilespmem:s18], [sflag:$0xA], $0x3200, s28, s26, $0x38;
	[tilespmem:$0x1F400] =	vst v63  }
0x37: {  	s17 =	simm.s32 $0x4B0;
	s23 =	simm.s32 $0x19000  }
0x38: {  	[tilespmem:s23], [sflag:$0x7] =	stream.indirect.gather [hbm4b:s4+s16], $0x40, s17, s16, $0xb8;
	[tilespmem:$0x1F400] =	vst v63  }
0x39: {  	_ =	swait.ge [sflag:s25], $0x3200  }
0x3a: {  	[sflag:s25] =	ssyncset.done $0x0  }
0x3b: {  	s30 =	rddreg [dreg:$0xf];
	[sflag:s25] =	ssyncadd.s32 $0xFFFFCE00  }
0x3c: {  	[hbm4b:s30+s26] =	stream.strided.scatter [tilespmem:s20], [sflag:$0xB], $0x3200, s28, s26, $0x38;
	[tilespmem:$0x1F400] =	vst v63  }
0x3d: {  	s17 =	simm.s32 $0x578;
	s30 =	simm.s32 $0x1C200  }
0x3e: {  	[tilespmem:s30], [sflag:$0x8] =	stream.indirect.gather [hbm4b:s4+s16], $0x40, s17, s16, $0xb8;
	[tilespmem:$0x1F400] =	vst v63  }
0x3f: {  	_ =	swait.ge [sflag:s29], $0x3200  }
0x40: {  	[sflag:s29] =	ssyncset.done $0x0  }
0x41: {  	s17 =	rddreg [dreg:$0x10];
	[sflag:s29] =	ssyncadd.s32 $0xFFFFCE00  }
0x42: {  	[hbm4b:s17+s26] =	stream.strided.scatter [tilespmem:s6], [sflag:$0xC], $0x3200, s28, s26, $0x38;
	[tilespmem:$0x1F400] =	vst v63  }
0x43: {  	_ =	swait.ge [sflag:s1], $0x3200  }
0x44: {  	[sflag:s1] =	ssyncset.done $0x0  }
0x45: {  	s17 =	simm.s32 $0x640;
	[sflag:s1] =	ssyncadd.s32 $0xFFFFCE00  }
0x46: {  	[tilespmem:s15], [sflag:$0x1] =	stream.indirect.gather [hbm4b:s4+s16], $0x40, s17, s16, $0xb8;
	[tilespmem:$0x1F400] =	vst v63  }
0x47: {  	_ =	swait.ge [sflag:s21], $0x3200  }
0x48: {  	[sflag:s21] =	ssyncset.done $0x0  }
0x49: {  	s2 =	rddreg [dreg:$0x7];
	[sflag:s21] =	ssyncadd.s32 $0xFFFFCE00  }
0x4a: {  	s17 =	rddreg [dreg:$0x2]  }
0x4b: {  	s2 =	sadd.s32 s17, s2  }
0x4c: {  	[hbm4b:s2+s26] =	stream.strided.scatter [tilespmem:s0], [sflag:$0xD], $0x3200, s28, s26, $0x38;
	[tilespmem:$0x1F400] =	vst v63  }
0x4d: {  	_ =	swait.ge [sflag:s3], $0x3200  }
0x4e: {  	[sflag:s3] =	ssyncset.done $0x0  }
0x4f: {  	s2 =	simm.s32 $0x708;
	[sflag:s3] =	ssyncadd.s32 $0xFFFFCE00  }
0x50: {  	[tilespmem:s18], [sflag:$0x2] =	stream.indirect.gather [hbm4b:s4+s16], $0x40, s2, s16, $0xb8;
	[tilespmem:$0x1F400] =	vst v63  }
0x51: {  	_ =	swait.ge [sflag:s5], $0x3200  }
0x52: {  	s2 =	rddreg [dreg:$0x6];
	[sflag:s5] =	ssyncset.done $0x0  }
0x53: {  	[sflag:s5] =	ssyncadd.s32 $0xFFFFCE00;
	s2 =	sadd.s32 s17, s2  }
0x54: {  	[hbm4b:s2+s26] =	stream.strided.scatter [tilespmem:s22], [sflag:$0xE], $0x3200, s28, s26, $0x38;
	[tilespmem:$0x1F400] =	vst v63  }
0x55: {  	_ =	swait.ge [sflag:s7], $0x3200  }
0x56: {  	[sflag:s7] =	ssyncset.done $0x0  }
0x57: {  	s2 =	simm.s32 $0x7D0;
	[sflag:s7] =	ssyncadd.s32 $0xFFFFCE00  }
0x58: {  	[tilespmem:s20], [sflag:$0x3] =	stream.indirect.gather [hbm4b:s4+s16], $0x40, s2, s16, $0xb8;
	[tilespmem:$0x1F400] =	vst v63  }
0x59: {  	_ =	swait.ge [sflag:s8], $0x3200  }
0x5a: {  	s2 =	rddreg [dreg:$0x5];
	[sflag:s8] =	ssyncset.done $0x0  }
0x5b: {  	[sflag:s8] =	ssyncadd.s32 $0xFFFFCE00;
	s2 =	sadd.s32 s17, s2  }
0x5c: {  	[hbm4b:s2+s26] =	stream.strided.scatter [tilespmem:s23], [sflag:$0xF], $0x3200, s28, s26, $0x38;
	[tilespmem:$0x1F400] =	vst v63  }
0x5d: {  	_ =	swait.ge [sflag:s9], $0x3200  }
0x5e: {  	[sflag:s9] =	ssyncset.done $0x0  }
0x5f: {  	s2 =	simm.s32 $0x898;
	[sflag:s9] =	ssyncadd.s32 $0xFFFFCE00  }
0x60: {  	[tilespmem:s6], [sflag:$0x4] =	stream.indirect.gather [hbm4b:s4+s16], $0x40, s2, s16, $0xb8;
	[tilespmem:$0x1F400] =	vst v63  }
0x61: {  	_ =	swait.ge [sflag:s10], $0x3200  }
0x62: {  	s6 =	rddreg [dreg:$0x4];
	[sflag:s10] =	ssyncset.done $0x0  }
0x63: {  	[sflag:s10] =	ssyncadd.s32 $0xFFFFCE00;
	s2 =	sadd.s32 s17, s6  }
0x64: {  	[hbm4b:s2+s26] =	stream.strided.scatter [tilespmem:s30], [sflag:$0x10], $0x3200, s28, s26, $0x38;
	[tilespmem:$0x1F400] =	vst v63  }
0x65: {  	_ =	swait.ge [sflag:s11], $0x3200  }
0x66: {  	[sflag:s11] =	ssyncset.done $0x0  }
0x67: {  	s6 =	simm.s32 $0x960;
	[sflag:s11] =	ssyncadd.s32 $0xFFFFCE00  }
0x68: {  	[tilespmem:s0], [sflag:$0x5] =	stream.indirect.gather [hbm4b:s4+s16], $0x40, s6, s16, $0xb8;
	[tilespmem:$0x1F400] =	vst v63  }
0x69: {  	_ =	swait.ge [sflag:s24], $0x3200  }
0x6a: {  	s0 =	rddreg [dreg:$0xb];
	[sflag:s24] =	ssyncset.done $0x0  }
0x6b: {  	[sflag:s24] =	ssyncadd.s32 $0xFFFFCE00;
	s2 =	sadd.s32 s17, s0  }
0x6c: {  	[hbm4b:s2+s26] =	stream.strided.scatter [tilespmem:s15], [sflag:$0x9], $0x3200, s28, s26, $0x38;
	[tilespmem:$0x1F400] =	vst v63  }
0x6d: {  	_ =	swait.ge [sflag:s12], $0x3200  }
0x6e: {  	[sflag:s12] =	ssyncset.done $0x0  }
0x6f: {  	s6 =	simm.s32 $0xA28;
	[sflag:s12] =	ssyncadd.s32 $0xFFFFCE00  }
0x70: {  	[tilespmem:s22], [sflag:$0x6] =	stream.indirect.gather [hbm4b:s4+s16], $0x40, s6, s16, $0xb8;
	[tilespmem:$0x1F400] =	vst v63  }
0x71: {  	_ =	swait.ge [sflag:s19], $0x3200  }
0x72: {  	s15 =	rddreg [dreg:$0xa];
	[sflag:s19] =	ssyncset.done $0x0  }
0x73: {  	[sflag:s19] =	ssyncadd.s32 $0xFFFFCE00;
	s2 =	sadd.s32 s17, s15  }
0x74: {  	[hbm4b:s2+s26] =	stream.strided.scatter [tilespmem:s18], [sflag:$0xA], $0x3200, s28, s26, $0x38;
	[tilespmem:$0x1F400] =	vst v63  }
0x75: {  	_ =	swait.ge [sflag:s13], $0x3200  }
0x76: {  	[sflag:s13] =	ssyncset.done $0x0  }
0x77: {  	s22 =	simm.s32 $0xAF0;
	[sflag:s13] =	ssyncadd.s32 $0xFFFFCE00  }
0x78: {  	[tilespmem:s23], [sflag:$0x7] =	stream.indirect.gather [hbm4b:s4+s16], $0x40, s22, s16, $0xb8;
	[tilespmem:$0x1F400] =	vst v63  }
0x79: {  	_ =	swait.ge [sflag:s25], $0x3200  }
0x7a: {  	s24 =	rddreg [dreg:$0x9];
	[sflag:s25] =	ssyncset.done $0x0  }
0x7b: {  	[sflag:s25] =	ssyncadd.s32 $0xFFFFCE00;
	s2 =	sadd.s32 s17, s24  }
0x7c: {  	[hbm4b:s2+s26] =	stream.strided.scatter [tilespmem:s20], [sflag:$0xB], $0x3200, s28, s26, $0x38;
	[tilespmem:$0x1F400] =	vst v63  }
0x7d: {  	_ =	swait.ge [sflag:s14], $0x3200  }
0x7e: {  	s15 =	simm.s32 $0x1900;
	[sflag:s14] =	ssyncset.done $0x0  }
0x7f: {  	s19 =	simm.s32 $0x2;
	s25 =	simm.s32 $0xBB8;
	[sflag:s14] =	ssyncadd.s32 $0xFFFFCE00  }
0x80: {  	[tilespmem:s30], [sflag:$0x8] =	stream.indirect.gather [hbm4b:s4+s16], $0x40, s25, s16, $0xb8;
	[tilespmem:$0x1F400] =	vst v63  }
0x81: {  	s18 =	simm.s32 $0x6400;
	s22 =	simm.s32 $0xC800;
	_ =	swait.ge [sflag:s29], $0x3200  }
0x82: {  	s20 =	simm.s32 $0x9600;
	s30 =	rddreg [dreg:$0x8];
	[sflag:s29] =	ssyncset.done $0x0  }
0x83: {  	s2 =	sadd.s32 $0x6400, s17;
	[sflag:s29] =	ssyncadd.s32 $0xFFFFCE00;
	s6 =	sadd.s32 s17, s30  }
.LBB2_2:
0x84: {  	s30 =	simm.s32 $0xFA00  }
0x85: {  	[hbm4b:s6+s26] =	stream.strided.scatter [tilespmem:s30], [sflag:$0xC], $0x3200, s28, s26, $0x38;
	[tilespmem:$0x1F400] =	vst v63  }
0x86: {  	s23 =	smov.u32 s15;
	_ =	swait.ge [sflag:s1], $0x3200  }
0x87: {  	s6 =	sshra.s32 s23, $0x2;
	[sflag:s1] =	ssyncset.done $0x0  }
0x88: {  	s17 =	sadd.s32 $0x640, s6;
	[sflag:s1] =	ssyncadd.s32 $0xFFFFCE00  }
0x89: {  	[tilespmem:s18], [sflag:$0x1] =	stream.indirect.gather [hbm4b:s4+s16], $0x40, s17, s16, $0xb8;
	[tilespmem:$0x1F400] =	vst v63  }
0x8a: {  	_ =	swait.ge [sflag:s21], $0x3200  }
0x8b: {  	s24 =	rddreg [dreg:$0x7];
	[sflag:s21] =	ssyncset.done $0x0  }
0x8c: {  	s0 =	simm.s32 $0x12C00;
	[sflag:s21] =	ssyncadd.s32 $0xFFFFCE00;
	s17 =	sadd.s32 s2, s24  }
0x8d: {  	[hbm4b:s17+s26] =	stream.strided.scatter [tilespmem:s0], [sflag:$0xD], $0x3200, s28, s26, $0x38;
	[tilespmem:$0x1F400] =	vst v63  }
0x8e: {  	_ =	swait.ge [sflag:s3], $0x3200  }
0x8f: {  	[sflag:s3] =	ssyncset.done $0x0  }
0x90: {  	s25 =	sadd.s32 $0x708, s6;
	[sflag:s3] =	ssyncadd.s32 $0xFFFFCE00  }
0x91: {  	[tilespmem:s20], [sflag:$0x2] =	stream.indirect.gather [hbm4b:s4+s16], $0x40, s25, s16, $0xb8;
	[tilespmem:$0x1F400] =	vst v63  }
0x92: {  	_ =	swait.ge [sflag:s5], $0x3200  }
0x93: {  	s23 =	rddreg [dreg:$0x6];
	[sflag:s5] =	ssyncset.done $0x0  }
0x94: {  	[sflag:s5] =	ssyncadd.s32 $0xFFFFCE00;
	s17 =	sadd.s32 s2, s23;
	s23 =	simm.s32 $0x15E00  }
0x95: {  	[hbm4b:s17+s26] =	stream.strided.scatter [tilespmem:s23], [sflag:$0xE], $0x3200, s28, s26, $0x38;
	[tilespmem:$0x1F400] =	vst v63  }
0x96: {  	_ =	swait.ge [sflag:s7], $0x3200  }
0x97: {  	[sflag:s7] =	ssyncset.done $0x0  }
0x98: {  	s24 =	sadd.s32 $0x7D0, s6;
	[sflag:s7] =	ssyncadd.s32 $0xFFFFCE00  }
0x99: {  	[tilespmem:s22], [sflag:$0x3] =	stream.indirect.gather [hbm4b:s4+s16], $0x40, s24, s16, $0xb8;
	[tilespmem:$0x1F400] =	vst v63  }
0x9a: {  	_ =	swait.ge [sflag:s8], $0x3200  }
0x9b: {  	s25 =	rddreg [dreg:$0x5];
	[sflag:s8] =	ssyncset.done $0x0  }
0x9c: {  	[sflag:s8] =	ssyncadd.s32 $0xFFFFCE00;
	s17 =	sadd.s32 s2, s25;
	s25 =	simm.s32 $0x19000  }
0x9d: {  	[hbm4b:s17+s26] =	stream.strided.scatter [tilespmem:s25], [sflag:$0xF], $0x3200, s28, s26, $0x38;
	[tilespmem:$0x1F400] =	vst v63  }
0x9e: {  	_ =	swait.ge [sflag:s9], $0x3200  }
0x9f: {  	[sflag:s9] =	ssyncset.done $0x0  }
0xa0: {  	s17 =	sadd.s32 $0x898, s6;
	[sflag:s9] =	ssyncadd.s32 $0xFFFFCE00  }
0xa1: {  	[tilespmem:s30], [sflag:$0x4] =	stream.indirect.gather [hbm4b:s4+s16], $0x40, s17, s16, $0xb8;
	[tilespmem:$0x1F400] =	vst v63  }
0xa2: {  	_ =	swait.ge [sflag:s10], $0x3200  }
0xa3: {  	s17 =	rddreg [dreg:$0x4];
	[sflag:s10] =	ssyncset.done $0x0  }
0xa4: {  	s29 =	simm.s32 $0x1C200;
	[sflag:s10] =	ssyncadd.s32 $0xFFFFCE00;
	s17 =	sadd.s32 s2, s17  }
0xa5: {  	[hbm4b:s17+s26] =	stream.strided.scatter [tilespmem:s29], [sflag:$0x10], $0x3200, s28, s26, $0x38;
	[tilespmem:$0x1F400] =	vst v63  }
0xa6: {  	_ =	swait.ge [sflag:s11], $0x3200  }
0xa7: {  	[sflag:s11] =	ssyncset.done $0x0  }
0xa8: {  	s17 =	sadd.s32 $0x960, s6;
	[sflag:s11] =	ssyncadd.s32 $0xFFFFCE00  }
0xa9: {  	[tilespmem:s0], [sflag:$0x5] =	stream.indirect.gather [hbm4b:s4+s16], $0x40, s17, s16, $0xb8;
	[tilespmem:$0x1F400] =	vst v63  }
0xaa: {  	_ =	swait.ge [sflag:s31], $0x3200  }
0xab: {  	s0 =	rddreg [dreg:$0xb];
	[sflag:s31] =	ssyncset.done $0x0  }
0xac: {  	[sflag:s31] =	ssyncadd.s32 $0xFFFFCE00;
	s17 =	sadd.s32 s2, s0  }
0xad: {  	[hbm4b:s17+s26] =	stream.strided.scatter [tilespmem:s18], [sflag:$0x9], $0x3200, s28, s26, $0x38;
	[tilespmem:$0x1F400] =	vst v63  }
0xae: {  	_ =	swait.ge [sflag:s12], $0x3200  }
0xaf: {  	[sflag:s12] =	ssyncset.done $0x0  }
0xb0: {  	s17 =	sadd.s32 $0xA28, s6;
	[sflag:s12] =	ssyncadd.s32 $0xFFFFCE00  }
0xb1: {  	[tilespmem:s23], [sflag:$0x6] =	stream.indirect.gather [hbm4b:s4+s16], $0x40, s17, s16, $0xb8;
	[tilespmem:$0x1F400] =	vst v63  }
0xb2: {  	_ =	swait.ge [sflag:s19], $0x3200  }
0xb3: {  	s23 =	rddreg [dreg:$0xa];
	[sflag:s19] =	ssyncset.done $0x0  }
0xb4: {  	[sflag:s19] =	ssyncadd.s32 $0xFFFFCE00;
	s17 =	sadd.s32 s2, s23  }
0xb5: {  	[hbm4b:s17+s26] =	stream.strided.scatter [tilespmem:s20], [sflag:$0xA], $0x3200, s28, s26, $0x38;
	[tilespmem:$0x1F400] =	vst v63  }
0xb6: {  	_ =	swait.ge [sflag:s13], $0x3200  }
0xb7: {  	[sflag:s13] =	ssyncset.done $0x0  }
0xb8: {  	s17 =	sadd.s32 $0xAF0, s6;
	[sflag:s13] =	ssyncadd.s32 $0xFFFFCE00  }
0xb9: {  	[tilespmem:s25], [sflag:$0x7] =	stream.indirect.gather [hbm4b:s4+s16], $0x40, s17, s16, $0xb8;
	[tilespmem:$0x1F400] =	vst v63  }
0xba: {  	s25 =	simm.s32 $0x3  }
0xbb: {  	_ =	swait.ge [sflag:s25], $0x3200  }
0xbc: {  	s17 =	rddreg [dreg:$0x9];
	[sflag:s25] =	ssyncset.done $0x0  }
0xbd: {  	[sflag:s25] =	ssyncadd.s32 $0xFFFFCE00;
	s17 =	sadd.s32 s2, s17  }
0xbe: {  	[hbm4b:s17+s26] =	stream.strided.scatter [tilespmem:s22], [sflag:$0xB], $0x3200, s28, s26, $0x38;
	[tilespmem:$0x1F400] =	vst v63  }
0xbf: {  	_ =	swait.ge [sflag:s14], $0x3200  }
0xc0: {  	[sflag:s14] =	ssyncset.done $0x0  }
0xc1: {  	p0 =	sne.s32 s15, $0x15E00;
	s6 =	sadd.s32 $0xBB8, s6;
	[sflag:s14] =	ssyncadd.s32 $0xFFFFCE00  }
0xc2: {  	[tilespmem:s29], [sflag:$0x8] =	stream.indirect.gather [hbm4b:s4+s16], $0x40, s6, s16, $0xb8;
	[tilespmem:$0x1F400] =	vst v63  }
.Ltmp0:
0xc3: {  	s15 =	sadd.s32 $0x1900, s15;
	(pc) =	sbr.rel @p0 .LBB2_2-.Ltmp0, $4  }
0xc4: {  	s24 =	simm.s32 $0xFA00;
	s30 =	simm.s32 $0x12C00;
	s29 =	simm.s32 $0x4  }
0xc5: {  	s0 =	simm.s32 $0x15E00;
	s23 =	simm.s32 $0x19000;
	_ =	swait.ge [sflag:s29], $0x3200  }
0xc6: {  	s17 =	simm.s32 $0x1C200;
	[sflag:s29] =	ssyncset.done $0x0;
	s6 =	rddreg [dreg:$0x8]  }
0xc7: {  	[sflag:s29] =	ssyncadd.s32 $0xFFFFCE00;
	s6 =	sadd.s32 s2, s6;
	s2 =	sadd.s32 $0x6400, s2  }
0xc8: {  	[hbm4b:s6+s26] =	stream.strided.scatter [tilespmem:s24], [sflag:$0xC], $0x3200, s28, s26, $0x38;
	[tilespmem:$0x1F400] =	vst v63  }
0xc9: {  	_ =	swait.ge [sflag:s21], $0x3200  }
0xca: {  	[sflag:s21] =	ssyncset.done $0x0  }
0xcb: {  	s2 =	rddreg [dreg:$0x11];
	[sflag:s21] =	ssyncadd.s32 $0xFFFFCE00  }
0xcc: {  	[hbm4b:s2+s26] =	stream.strided.scatter [tilespmem:s30], [sflag:$0xD], $0x3200, s28, s26, $0x38;
	[tilespmem:$0x1F400] =	vst v63  }
0xcd: {  	_ =	swait.ge [sflag:s5], $0x3200  }
0xce: {  	[sflag:s5] =	ssyncset.done $0x0  }
0xcf: {  	s20 =	rddreg [dreg:$0x12];
	[sflag:s5] =	ssyncadd.s32 $0xFFFFCE00  }
0xd0: {  	[hbm4b:s20+s26] =	stream.strided.scatter [tilespmem:s0], [sflag:$0xE], $0x3200, s28, s26, $0x38;
	[tilespmem:$0x1F400] =	vst v63  }
0xd1: {  	_ =	swait.ge [sflag:s8], $0x3200  }
0xd2: {  	[sflag:s8] =	ssyncset.done $0x0  }
0xd3: {  	s22 =	rddreg [dreg:$0x13];
	[sflag:s8] =	ssyncadd.s32 $0xFFFFCE00  }
0xd4: {  	[hbm4b:s22+s26] =	stream.strided.scatter [tilespmem:s23], [sflag:$0xF], $0x3200, s28, s26, $0x38;
	[tilespmem:$0x1F400] =	vst v63  }
0xd5: {  	_ =	swait.ge [sflag:s10], $0x3200  }
0xd6: {  	[sflag:s10] =	ssyncset.done $0x0  }
0xd7: {  	s23 =	rddreg [dreg:$0x14];
	[sflag:s10] =	ssyncadd.s32 $0xFFFFCE00  }
0xd8: {  	[hbm4b:s23+s26] =	stream.strided.scatter [tilespmem:s17], [sflag:$0x10], $0x3200, s28, s26, $0x38;
	[tilespmem:$0x1F400] =	vst v63  }
0xd9: {  	_ =	swait.ge [sflag:s1], $0x3200  }
0xda: {  	[sflag:s1] =	ssyncset.done $0x0  }
0xdb: {  	[sflag:s1] =	ssyncadd.s32 $0xFFFFCE00  }
0xdc: {  	_ =	swait.ge [sflag:s3], $0x3200  }
0xdd: {  	[sflag:s3] =	ssyncset.done $0x0  }
0xde: {  	[sflag:s3] =	ssyncadd.s32 $0xFFFFCE00  }
0xdf: {  	_ =	swait.ge [sflag:s7], $0x3200  }
0xe0: {  	[sflag:s7] =	ssyncset.done $0x0  }
0xe1: {  	[sflag:s7] =	ssyncadd.s32 $0xFFFFCE00  }
0xe2: {  	_ =	swait.ge [sflag:s9], $0x3200  }
0xe3: {  	[sflag:s9] =	ssyncset.done $0x0  }
0xe4: {  	[sflag:s9] =	ssyncadd.s32 $0xFFFFCE00  }
0xe5: {  	_ =	swait.ge [sflag:s11], $0x3200  }
0xe6: {  	[sflag:s11] =	ssyncset.done $0x0  }
0xe7: {  	[sflag:s11] =	ssyncadd.s32 $0xFFFFCE00  }
0xe8: {  	_ =	swait.ge [sflag:s12], $0x3200  }
0xe9: {  	[sflag:s12] =	ssyncset.done $0x0  }
0xea: {  	[sflag:s12] =	ssyncadd.s32 $0xFFFFCE00  }
0xeb: {  	_ =	swait.ge [sflag:s13], $0x3200  }
0xec: {  	[sflag:s13] =	ssyncset.done $0x0  }
0xed: {  	[sflag:s13] =	ssyncadd.s32 $0xFFFFCE00  }
0xee: {  	_ =	swait.ge [sflag:s14], $0x3200  }
0xef: {  	s24 =	rddreg [dreg:$0x16]  }
0xf0: {  	s30 =	rddreg [dreg:$0x15];
	s0 =	sadd.s32 $0x1, s24  }
0xf1: {  	p0 =	sne.s32 s0, s30  }
.Ltmp1:
0xf2: {  	_ = 	snop;
	(pc) =	sbr.rel @p0 .LBB2_1-.Ltmp1, $4  }
0xf3: {  	_ = 	snop  }
0xf4: {  	s15 =	simm.s32 $0x6400  }
0xf5: {  	s18 =	simm.s32 $0x9600;
	s19 =	simm.s32 $0x2;
	[sflag:s14] =	ssyncset.done $0x0  }
0xf6: {  	s20 =	simm.s32 $0xC800;
	[sflag:s14] =	ssyncadd.s32 $0xFFFFCE00;
	s24 =	simm.s32 $0x1  }
0xf7: {  	_ =	sfence.sel $0x180000  }
0xf8: {  	[bflag:$0x0] =	sbarrier.arrive $0xFFFF  }
0xf9: {  	_ =	strace $0x90000047  }
0xfa: {  	s0 =	stileid.u32;
	[bflag:$0x2] =	sbarrier.arrive $0xFFFF  }
0xfb: {  	p0 =	sne.s32 s0, $0x0;
	s0 =	rddreg [dreg:$0x3]  }
0xfc: {  	s0 =	sadd.s32 @!p0 $0x100000, s0  }
0xfd: {  	[sflag:s0] =	ssyncadd.tile.s32 @!p0 $0x1;
	_ =	shalt  }
.Lfunc_end2:
_tile_overlayer_lowered:
.L_overlay_start_2:
0xfe: {  	(tag) =	ssettag $0x2  }
0xff: {  	s0 =	rddreg [dreg:$0x0];
	s2 =	stileid.u32  }
0x100: {  	s1 =	rddreg [dreg:$0x1];
	p0 =	sne.s32 s2, $0x0  }
0x101: {  	s3 =	rddreg [dreg:$0x2];
	[bflag:$0x3] =	sbarrier.arrive $0xFFFF;
	s2 =	simm.s32 @!p0 $0x1C11  }
0x102: {  	[timem:s3], [sflag:s2] =	dma.local @!p0 [hbm:s0], s1  }
0x103: {  	s0 =	simm.s32 @!p0 $0x11  }
0x104: {  	_ =	swait.ge @!p0 [sflag:s0], s1  }
0x105: {  	s1 =	ssub.s32 @!p0 $0x0, s1;
	[sflag:s0] =	ssyncset.done @!p0 $0x0  }
0x106: {  	[sflag:s0] =	ssyncadd.s32 @!p0 s1  }
0x107: {  	[bflag:$0x3] =	sbarrier.arrive $0xFFFF  }
0x108: {  	_ =	shalt  }

</sc_bundles>
